<compile_context>
chip_gen: v7x
topology: tpu7x:2x2x1
jax: 0.10.2.dev20260603
libtpu: 0.0.44.dev20260713+nightly
codegen_flags: <defaults>
</compile_context>

<pallas_src>
import functools

import jax
import jax.numpy as jnp
from jax import lax
from jax.experimental import pallas as pl
from jax.experimental.pallas import tpu as pltpu
from jax.experimental.pallas import tpu_sc as plsc

TOPK = 8
T_DIM = 2
EMB = 128
C = 128
DT = 2048
NEG = float('-inf')
HI = lax.Precision.HIGHEST


def _patient_embed_raw(patient, pe_W, pe_b):
    B = patient.shape[0]

    def body(x_ref, w_ref, b_ref, o_ref):
        o_ref[...] = lax.dot_general(x_ref[...].astype(jnp.bfloat16),
                                     w_ref[...].astype(jnp.bfloat16),
                                     (((1,), (0,)), ((), ())),
                                     preferred_element_type=jnp.float32) + b_ref[...]

    return pl.pallas_call(
        body,
        out_shape=jax.ShapeDtypeStruct((B, EMB), jnp.float32),
    )(patient, pe_W, pe_b.reshape(1, EMB))


def _similarity(pe_bf, corpus_bf, npad, n_docs):
    B = pe_bf.shape[0]
    steps = npad // DT
    bm_per = DT // C

    def body(pe_ref, c_ref, sim_ref, bm_ref):
        d = pl.program_id(0)
        sim = lax.dot_general(pe_ref[...], c_ref[...],
                              (((1,), (1,)), ((), ())),
                              preferred_element_type=jnp.float32)
        for j in range(bm_per):
            sim_ref[j * B:(j + 1) * B, :] = sim[:, j * C:(j + 1) * C]

        def bm_of(s):
            return jnp.max(s.reshape(B, bm_per, C), axis=2).reshape(1, B, bm_per)

        @pl.when(d < steps - 1)
        def _():
            bm_ref[...] = bm_of(sim)

        @pl.when(d == steps - 1)
        def _():
            ids = lax.broadcasted_iota(jnp.int32, (1, DT), 1) + d * DT
            bm_ref[...] = bm_of(jnp.where(ids < n_docs, sim, NEG))

    return pl.pallas_call(
        body,
        grid=(steps,),
        in_specs=[
            pl.BlockSpec((B, EMB), lambda d: (0, 0)),
            pl.BlockSpec((DT, EMB), lambda d: (d, 0)),
        ],
        out_specs=[
            pl.BlockSpec((bm_per * B, C), lambda d: (d, 0)),
            pl.BlockSpec((1, B, bm_per), lambda d: (d, 0, 0)),
        ],
        out_shape=[
            jax.ShapeDtypeStruct((npad // C * B, C), jnp.float32),
            jax.ShapeDtypeStruct((steps, B, bm_per), jnp.float32),
        ],
    )(pe_bf, corpus_bf)


def _top_blocks(bm):
    B, nb = bm.shape
    QT = 128

    def body(bm_ref, o_ref):
        x = bm_ref[...]
        iota = lax.broadcasted_iota(jnp.int32, (QT, nb), 1)
        cols = []
        for _ in range(TOPK):
            m = jnp.max(x, axis=1, keepdims=True)
            pos = jnp.min(jnp.where(x >= m, iota, nb), axis=1, keepdims=True)
            cols.append(pos)
            x = jnp.where(iota == pos, NEG, x)
        o_ref[...] = jnp.concatenate(cols, axis=1)

    return pl.pallas_call(
        body,
        grid=(B // QT,),
        in_specs=[pl.BlockSpec((QT, nb), lambda q: (q, 0))],
        out_specs=pl.BlockSpec((QT, TOPK), lambda q: (q, 0)),
        out_shape=jax.ShapeDtypeStruct((B, TOPK), jnp.int32),
    )(bm)


def _sc_gather(table, idx, chunk):
    R = idx.shape[0]
    D = table.shape[1]
    info = plsc.get_sparse_core_info()
    nw = info.num_cores * info.num_subcores
    per_w = R // nw
    chunks = per_w // chunk
    mesh = plsc.VectorSubcoreMesh(core_axis_name="c", subcore_axis_name="s")

    @functools.partial(
        pl.kernel,
        out_type=jax.ShapeDtypeStruct((R, D), jnp.float32),
        mesh=mesh,
        scratch_types=[
            pltpu.VMEM((chunk,), jnp.int32),
            pltpu.VMEM((chunk, D), jnp.float32),
            pltpu.SemaphoreType.DMA,
        ],
    )
    def gk(table_hbm, idx_hbm, out_hbm, idx_v, rows_v, sem):
        wid = lax.axis_index("s") * info.num_cores + lax.axis_index("c")
        for j in range(chunks):
            base = wid * per_w + j * chunk
            pltpu.sync_copy(idx_hbm.at[pl.ds(base, chunk)], idx_v)
            pltpu.async_copy(table_hbm.at[idx_v], rows_v, sem).wait()
            pltpu.sync_copy(rows_v, out_hbm.at[pl.ds(base, chunk)])

    return gk(table, idx)


def _final_topk(cand, bid, n_docs):
    B = cand.shape[0]
    W = TOPK * C
    QT = 128

    def body(c_ref, b_ref, s_ref, i_ref):
        x = c_ref[...]
        bid_t = b_ref[...]
        lane = lax.broadcasted_iota(jnp.int32, (QT, C), 1)
        gids = jnp.concatenate(
            [bid_t[:, j:j + 1] * C + lane for j in range(TOPK)], axis=1)
        x = jnp.where(gids < n_docs, x, NEG)
        iota = lax.broadcasted_iota(jnp.int32, (QT, W), 1)
        vcols, pcols = [], []
        for _ in range(TOPK):
            m = jnp.max(x, axis=1, keepdims=True)
            pos = jnp.min(jnp.where(x >= m, iota, W), axis=1, keepdims=True)
            vcols.append(m)
            pcols.append(pos)
            x = jnp.where(iota == pos, NEG, x)
        pos8 = jnp.concatenate(pcols, axis=1)
        sel = pos8 // C
        lane8 = pos8 % C
        bsel = jnp.zeros((QT, TOPK), jnp.int32)
        for j in range(TOPK):
            bsel = bsel + jnp.where(sel == j, bid_t[:, j:j + 1], 0)
        s_ref[...] = jnp.concatenate(vcols, axis=1)
        i_ref[...] = bsel * C + lane8

    return pl.pallas_call(
        body,
        grid=(B // QT,),
        in_specs=[
            pl.BlockSpec((QT, W), lambda q: (q, 0)),
            pl.BlockSpec((QT, TOPK), lambda q: (q, 0)),
        ],
        out_specs=[
            pl.BlockSpec((QT, TOPK), lambda q: (q, 0)),
            pl.BlockSpec((QT, TOPK), lambda q: (q, 0)),
        ],
        out_shape=[
            jax.ShapeDtypeStruct((B, TOPK), jnp.float32),
            jax.ShapeDtypeStruct((B, TOPK), jnp.int32),
        ],
    )(cand, bid)


def _mlp(conf, flat, treat, p):
    B = conf.shape[0]
    QT = 128
    cd = conf.shape[1]
    hid = p['r1_b'].shape[0]
    half = hid // 2
    quarter = hid // 4

    r1a = p['r1_W'][:cd]
    r1b = p['r1_W'][cd:]
    h1a = p['h1_W'][:half]
    h1t = p['h1_W'][half:]

    def dot(a, b):
        return lax.dot_general(a.astype(jnp.bfloat16), b.astype(jnp.bfloat16),
                               (((1,), (0,)), ((), ())),
                               preferred_element_type=jnp.float32)

    def ln(h, g, b):
        m = jnp.mean(h, axis=1, keepdims=True)
        d = h - m
        v = jnp.mean(d * d, axis=1, keepdims=True)
        return d / jnp.sqrt(v + 1e-5) * g + b

    def body(conf_ref, flat_ref, tr_ref,
             r1a_ref, r1b_ref, r1b_b, ln1g, ln1b, r2w, r2b, ln2g, ln2b,
             r3w, r3b, h1a_ref, h1t_ref, h1b, h2w, h2b, h3w, h3b,
             p1w, p1b, p2w, p2b,
             fo_ref, cf_ref, pr_ref, rep_ref):
        cf_in = conf_ref[...]
        h = dot(cf_in, r1a_ref[...]) + dot(flat_ref[...], r1b_ref[...]) + r1b_b[...]
        h = jnp.maximum(h, 0.0)
        h = ln(h, ln1g[...], ln1b[...])
        h = dot(h, r2w[...]) + r2b[...]
        h = jnp.maximum(h, 0.0)
        h = ln(h, ln2g[...], ln2b[...])
        rep = dot(h, r3w[...]) + r3b[...]
        rep_ref[...] = rep

        base = dot(rep, h1a_ref[...]) + h1b[...]
        h1t_t = h1t_ref[...]
        outs = []
        for t in range(T_DIM):
            ht = jnp.maximum(base + h1t_t[t:t + 1, :], 0.0)
            ht = jnp.maximum(dot(ht, h2w[...]) + h2b[...], 0.0)
            outs.append(dot(ht, h3w[...]) + h3b[...])
        cf = jnp.concatenate(outs, axis=1)
        cf_ref[...] = cf
        tr = tr_ref[...]
        fo_ref[...] = jnp.sum(tr * cf, axis=1, keepdims=True)

        ph = jnp.maximum(dot(cf_in, p1w[...]) + p1b[...], 0.0)
        logits = dot(ph, p2w[...]) + p2b[...]
        m = jnp.max(logits, axis=1, keepdims=True)
        e = jnp.exp(logits - m)
        pr_ref[...] = e / jnp.sum(e, axis=1, keepdims=True)

    def row_spec(arr):
        return pl.BlockSpec(arr.shape, lambda q: tuple(0 for _ in arr.shape))

    weights = [r1a, r1b, p['r1_b'].reshape(1, -1), p['ln1_g'].reshape(1, -1),
               p['ln1_b'].reshape(1, -1), p['r2_W'], p['r2_b'].reshape(1, -1),
               p['ln2_g'].reshape(1, -1), p['ln2_b'].reshape(1, -1),
               p['r3_W'], p['r3_b'].reshape(1, -1), h1a, h1t,
               p['h1_b'].reshape(1, -1), p['h2_W'], p['h2_b'].reshape(1, -1),
               p['h3_W'], p['h3_b'].reshape(1, -1),
               p['p1_W'], p['p1_b'].reshape(1, -1),
               p['p2_W'], p['p2_b'].reshape(1, -1)]

    return pl.pallas_call(
        body,
        grid=(B // QT,),
        in_specs=[
            pl.BlockSpec((QT, cd), lambda q: (q, 0)),
            pl.BlockSpec((QT, TOPK * EMB), lambda q: (q, 0)),
            pl.BlockSpec((QT, T_DIM), lambda q: (q, 0)),
        ] + [row_spec(w) for w in weights],
        out_specs=[
            pl.BlockSpec((QT, 1), lambda q: (q, 0)),
            pl.BlockSpec((QT, T_DIM), lambda q: (q, 0)),
            pl.BlockSpec((QT, T_DIM), lambda q: (q, 0)),
            pl.BlockSpec((QT, half), lambda q: (q, 0)),
        ],
        out_shape=[
            jax.ShapeDtypeStruct((B, 1), jnp.float32),
            jax.ShapeDtypeStruct((B, T_DIM), jnp.float32),
            jax.ShapeDtypeStruct((B, T_DIM), jnp.float32),
            jax.ShapeDtypeStruct((B, half), jnp.float32),
        ],
    )(conf, flat, treat, *weights)


def kernel(patient, treatment, confounders, corpus_embeddings, params):
    B = patient.shape[0]
    n_docs = corpus_embeddings.shape[0]
    npad = ((n_docs + DT - 1) // DT) * DT
    nb = npad // C

    pe = _patient_embed_raw(patient, params['pe_W'], params['pe_b'])
    pe = pe / jnp.maximum(jnp.linalg.norm(pe, axis=1, keepdims=True), 1e-12)
    ce = corpus_embeddings / jnp.maximum(
        jnp.linalg.norm(corpus_embeddings, axis=1, keepdims=True), 1e-12)

    sim, bm3 = _similarity(pe.astype(jnp.bfloat16), ce.astype(jnp.bfloat16),
                           npad, n_docs)
    bid = _top_blocks(bm3.transpose(1, 0, 2).reshape(B, nb))

    rows = (bid * B + jnp.arange(B, dtype=jnp.int32)[:, None]).reshape(-1)
    cand = _sc_gather(sim, rows, 128)
    scores, indices = _final_topk(cand.reshape(B, TOPK * C), bid, n_docs)

    retrieved = _sc_gather(corpus_embeddings, indices.reshape(-1), 128)
    flat = retrieved.reshape(B, TOPK * EMB)

    fo, cf, prop, rep = _mlp(confounders, flat, treatment, params)
    return (fo, cf.reshape(B, T_DIM, 1), prop, rep, scores, indices)

# --- scband reference (transcript-rebuilt; emitter-appended) ---
"""Pipeline reference for scband-cfrcausal-rag-78520592105868 (READ-ONLY COPY).

The authoritative reference and input builder live on the scoring server;
editing this copy changes nothing except your own understanding.
"""

import jax, jax.numpy as jnp
import numpy as np

TOP_K = 8
T_DIM = 2

def _norm(x):
    return x / jnp.maximum(jnp.linalg.norm(x, axis=1, keepdims=True), 1e-12)

def _ln(x, g, b, eps=1e-5):
    m = jnp.mean(x, axis=-1, keepdims=True)
    v = jnp.var(x, axis=-1, keepdims=True)
    return (x - m) / jnp.sqrt(v + eps) * g + b

def _hyp(x, p):
    h = jax.nn.relu(x @ p['h1_W'] + p['h1_b'])
    h = jax.nn.relu(h @ p['h2_W'] + p['h2_b'])
    return h @ p['h3_W'] + p['h3_b']

def setup_inputs(seed: int = 0):
    key = jax.random.key(seed)
    ks = jax.random.split(key, 16)
    B, conf_d, t_d, emb_d, n_docs, hid, k = 1024, 64, 2, 128, 100000, 512, TOP_K
    confounders = jax.random.normal(ks[0], (B, conf_d), jnp.float32)
    treatment = jax.nn.one_hot(jax.random.randint(ks[1], (B,), 0, t_d), t_d, dtype=jnp.float32)
    patient = jnp.concatenate([confounders, treatment], axis=1)
    corpus_embeddings = jax.random.normal(ks[2], (n_docs, emb_d), jnp.float32)
    def w(kk, i, o):
        return jax.random.normal(kk, (i, o), jnp.float32) * (1.0 / np.sqrt(i))
    rep_in = conf_d + emb_d * k
    params = {
        'pe_W': w(ks[3], conf_d + t_d, emb_d), 'pe_b': jnp.zeros((emb_d,), jnp.float32),
        'r1_W': w(ks[4], rep_in, hid), 'r1_b': jnp.zeros((hid,), jnp.float32),
        'ln1_g': jnp.ones((hid,), jnp.float32), 'ln1_b': jnp.zeros((hid,), jnp.float32),
        'r2_W': w(ks[5], hid, hid), 'r2_b': jnp.zeros((hid,), jnp.float32),
        'ln2_g': jnp.ones((hid,), jnp.float32), 'ln2_b': jnp.zeros((hid,), jnp.float32),
        'r3_W': w(ks[6], hid, hid // 2), 'r3_b': jnp.zeros((hid // 2,), jnp.float32),
        'h1_W': w(ks[7], hid // 2 + t_d, hid // 2), 'h1_b': jnp.zeros((hid // 2,), jnp.float32),
        'h2_W': w(ks[8], hid // 2, hid // 4), 'h2_b': jnp.zeros((hid // 4,), jnp.float32),
        'h3_W': w(ks[9], hid // 4, 1), 'h3_b': jnp.zeros((1,), jnp.float32),
        'p1_W': w(ks[10], conf_d, hid // 2), 'p1_b': jnp.zeros((hid // 2,), jnp.float32),
        'p2_W': w(ks[11], hid // 2, t_d), 'p2_b': jnp.zeros((t_d,), jnp.float32),
    }
    return {'patient': patient, 'treatment': treatment, 'confounders': confounders,
            'corpus_embeddings': corpus_embeddings, 'params': params}

def reference(patient, treatment, confounders, corpus_embeddings, params):
    p = params
    B = patient.shape[0]
    patient_emb = _norm(patient @ p['pe_W'] + p['pe_b'])
    corpus_emb = _norm(corpus_embeddings)
    similarity = patient_emb @ corpus_emb.T
    retrieval_scores, retrieval_indices = jax.lax.top_k(similarity, TOP_K)
    retrieved = jnp.take(corpus_embeddings, retrieval_indices, axis=0)  # [B, k, d]
    flat = retrieved.reshape(B, -1)
    rep_in = jnp.concatenate([confounders, flat], axis=1)
    h = jax.nn.relu(rep_in @ p['r1_W'] + p['r1_b'])
    h = _ln(h, p['ln1_g'], p['ln1_b'])
    h = jax.nn.relu(h @ p['r2_W'] + p['r2_b'])
    h = _ln(h, p['ln2_g'], p['ln2_b'])
    representation = h @ p['r3_W'] + p['r3_b']
    factual_outcome = _hyp(jnp.concatenate([representation, treatment], axis=1), p)
    ph = jax.nn.relu(confounders @ p['p1_W'] + p['p1_b'])
    propensity = jax.nn.softmax(ph @ p['p2_W'] + p['p2_b'], axis=1)
    cfs = []
    for t in range(T_DIM):
        tv = jnp.zeros((B, T_DIM), jnp.float32).at[:, t].set(1.0)
        cfs.append(_hyp(jnp.concatenate([representation, tv], axis=1), p))
    counterfactual_preds = jnp.stack(cfs, axis=1)
    return (factual_outcome, counterfactual_preds, propensity, representation, retrieval_scores, retrieval_indices)

if __name__ == "__main__":
    import jax
    _d = setup_inputs()
    print(jax.jit(kernel)(*tuple(_d.values())))

</pallas_src>

<mosaic_0001>
#map = affine_map<(d0, d1) -> (0, 0)>
#map1 = affine_map<(d0, d1) -> (0)>
module attributes {stable_mosaic.version = 14 : i64} {
  func.func @gk(%arg0: i32, %arg1: i32, %arg2: memref<100000x128xf32, #tpu.memory_space<hbm>>, %arg3: memref<8192xi32, #tpu.memory_space<hbm>>, %arg4: memref<8192x128xf32, #tpu.memory_space<hbm>>, %arg5: memref<128xi32, #tpu.memory_space<vmem>>, %arg6: memref<128x128xf32, #tpu.memory_space<vmem>>, %arg7: memref<!tpu.dma_semaphore, #tpu.memory_space<semaphore_mem>>) attributes {dimension_semantics = [#tpu.dimension_semantics<core_parallel>, #tpu.dimension_semantics<subcore_parallel>], iteration_bounds = array<i64: 2, 16>, scalar_prefetch = 0 : i64, scratch_operands = 3 : i64, tpu.core_type = #tpu.core_type<sc_vector_subcore>, window_params = [{transform_indices = #map}, {transform_indices = #map1}, {transform_indices = #map}]} {
    %mul3A = arith.constant 2 : i32
    %mul3A_0 = arith.muli %arg1, %mul3A : i32
    %add3A = arith.addi %mul3A_0, %arg0 : i32
    %mul3A_1 = arith.constant 256 : i32
    %mul3A_2 = arith.muli %add3A, %mul3A_1 : i32
    %add3A_3 = arith.constant 0 : i32
    %add3A_4 = arith.addi %mul3A_2, %add3A_3 : i32
    "tpu.region"() ({
      %run_scoped3A = tpu.sem_alloc : memref<!tpu.dma_semaphore, #tpu.memory_space<semaphore_mem>>
      %dma_start3A_19 = tpu.memref_slice %arg3[%add3A_4] : memref<8192xi32, #tpu.memory_space<hbm>> -> memref<128xi32, #tpu.memory_space<hbm>>
      %dma_start3A_20 = tpu.memref_slice %arg3[%add3A_4] : memref<8192xi32, #tpu.memory_space<hbm>> -> memref<128xi32, #tpu.memory_space<hbm>>
      tpu.enqueue_dma source(%dma_start3A_20 : memref<128xi32, #tpu.memory_space<hbm>>) target(%arg5 : memref<128xi32, #tpu.memory_space<vmem>>) target_semaphore(%run_scoped3A : memref<!tpu.dma_semaphore, #tpu.memory_space<semaphore_mem>>)
      %dma_wait3A_21 = tpu.memref_slice %arg3[%add3A_4] : memref<8192xi32, #tpu.memory_space<hbm>> -> memref<128xi32, #tpu.memory_space<hbm>>
      %dma_wait3A_22 = tpu.memref_slice %arg3[%add3A_4] : memref<8192xi32, #tpu.memory_space<hbm>> -> memref<128xi32, #tpu.memory_space<hbm>>
      tpu.wait_dma2 semaphore(%run_scoped3A : memref<!tpu.dma_semaphore, #tpu.memory_space<semaphore_mem>>) src(%dma_wait3A_22 : memref<128xi32, #tpu.memory_space<hbm>>) dst(%arg5 : memref<128xi32, #tpu.memory_space<vmem>>)
      tpu.yield
    }) : () -> ()
    %dma_start3A = arith.constant 0 : i32
    %dma_start3A_5 = arith.constant 0 : i32
    %dma_start3A_6 = tpu.memref_slice %arg2[%dma_start3A, %dma_start3A_5] : memref<100000x128xf32, #tpu.memory_space<hbm>> -> memref<100000x128xf32, #tpu.memory_space<hbm>>
    tpu.enqueue_indirect_dma source(%dma_start3A_6 : memref<100000x128xf32, #tpu.memory_space<hbm>>) target(%arg6 : memref<128x128xf32, #tpu.memory_space<vmem>>) offsets(%arg5 : memref<128xi32, #tpu.memory_space<vmem>>) semaphore(%arg7 : memref<!tpu.dma_semaphore, #tpu.memory_space<semaphore_mem>>)
    %dma_wait3A = arith.constant 0 : i32
    %dma_wait3A_7 = arith.constant 0 : i32
    %dma_wait3A_8 = tpu.memref_slice %arg2[%dma_wait3A, %dma_wait3A_7] : memref<100000x128xf32, #tpu.memory_space<hbm>> -> memref<100000x128xf32, #tpu.memory_space<hbm>>
    tpu.wait_indirect_dma semaphore(%arg7 : memref<!tpu.dma_semaphore, #tpu.memory_space<semaphore_mem>>) src(%dma_wait3A_8 : memref<100000x128xf32, #tpu.memory_space<hbm>>) dst(%arg6 : memref<128x128xf32, #tpu.memory_space<vmem>>)
    "tpu.region"() ({
      %run_scoped3A = tpu.sem_alloc : memref<!tpu.dma_semaphore, #tpu.memory_space<semaphore_mem>>
      %dma_start3A_19 = arith.constant 0 : i32
      %dma_start3A_20 = tpu.memref_slice %arg4[%add3A_4, %dma_start3A_19] : memref<8192x128xf32, #tpu.memory_space<hbm>> -> memref<128x128xf32, #tpu.memory_space<hbm>>
      %dma_start3A_21 = arith.constant 0 : i32
      %dma_start3A_22 = tpu.memref_slice %arg4[%add3A_4, %dma_start3A_21] : memref<8192x128xf32, #tpu.memory_space<hbm>> -> memref<128x128xf32, #tpu.memory_space<hbm>>
      tpu.enqueue_dma source(%arg6 : memref<128x128xf32, #tpu.memory_space<vmem>>) target(%dma_start3A_22 : memref<128x128xf32, #tpu.memory_space<hbm>>) target_semaphore(%run_scoped3A : memref<!tpu.dma_semaphore, #tpu.memory_space<semaphore_mem>>)
      %dma_wait3A_23 = arith.constant 0 : i32
      %dma_wait3A_24 = tpu.memref_slice %arg4[%add3A_4, %dma_wait3A_23] : memref<8192x128xf32, #tpu.memory_space<hbm>> -> memref<128x128xf32, #tpu.memory_space<hbm>>
      %dma_wait3A_25 = arith.constant 0 : i32
      %dma_wait3A_26 = tpu.memref_slice %arg4[%add3A_4, %dma_wait3A_25] : memref<8192x128xf32, #tpu.memory_space<hbm>> -> memref<128x128xf32, #tpu.memory_space<hbm>>
      tpu.wait_dma2 semaphore(%run_scoped3A : memref<!tpu.dma_semaphore, #tpu.memory_space<semaphore_mem>>) src(%arg6 : memref<128x128xf32, #tpu.memory_space<vmem>>) dst(%dma_wait3A_26 : memref<128x128xf32, #tpu.memory_space<hbm>>)
      tpu.yield
    }) : () -> ()
    %mul3A_9 = arith.constant 256 : i32
    %mul3A_10 = arith.muli %add3A, %mul3A_9 : i32
    %add3A_11 = arith.constant 128 : i32
    %add3A_12 = arith.addi %mul3A_10, %add3A_11 : i32
    "tpu.region"() ({
      %run_scoped3A = tpu.sem_alloc : memref<!tpu.dma_semaphore, #tpu.memory_space<semaphore_mem>>
      %dma_start3A_19 = tpu.memref_slice %arg3[%add3A_12] : memref<8192xi32, #tpu.memory_space<hbm>> -> memref<128xi32, #tpu.memory_space<hbm>>
      %dma_start3A_20 = tpu.memref_slice %arg3[%add3A_12] : memref<8192xi32, #tpu.memory_space<hbm>> -> memref<128xi32, #tpu.memory_space<hbm>>
      tpu.enqueue_dma source(%dma_start3A_20 : memref<128xi32, #tpu.memory_space<hbm>>) target(%arg5 : memref<128xi32, #tpu.memory_space<vmem>>) target_semaphore(%run_scoped3A : memref<!tpu.dma_semaphore, #tpu.memory_space<semaphore_mem>>)
      %dma_wait3A_21 = tpu.memref_slice %arg3[%add3A_12] : memref<8192xi32, #tpu.memory_space<hbm>> -> memref<128xi32, #tpu.memory_space<hbm>>
      %dma_wait3A_22 = tpu.memref_slice %arg3[%add3A_12] : memref<8192xi32, #tpu.memory_space<hbm>> -> memref<128xi32, #tpu.memory_space<hbm>>
      tpu.wait_dma2 semaphore(%run_scoped3A : memref<!tpu.dma_semaphore, #tpu.memory_space<semaphore_mem>>) src(%dma_wait3A_22 : memref<128xi32, #tpu.memory_space<hbm>>) dst(%arg5 : memref<128xi32, #tpu.memory_space<vmem>>)
      tpu.yield
    }) : () -> ()
    %dma_start3A_13 = arith.constant 0 : i32
    %dma_start3A_14 = arith.constant 0 : i32
    %dma_start3A_15 = tpu.memref_slice %arg2[%dma_start3A_13, %dma_start3A_14] : memref<100000x128xf32, #tpu.memory_space<hbm>> -> memref<100000x128xf32, #tpu.memory_space<hbm>>
    tpu.enqueue_indirect_dma source(%dma_start3A_15 : memref<100000x128xf32, #tpu.memory_space<hbm>>) target(%arg6 : memref<128x128xf32, #tpu.memory_space<vmem>>) offsets(%arg5 : memref<128xi32, #tpu.memory_space<vmem>>) semaphore(%arg7 : memref<!tpu.dma_semaphore, #tpu.memory_space<semaphore_mem>>)
    %dma_wait3A_16 = arith.constant 0 : i32
    %dma_wait3A_17 = arith.constant 0 : i32
    %dma_wait3A_18 = tpu.memref_slice %arg2[%dma_wait3A_16, %dma_wait3A_17] : memref<100000x128xf32, #tpu.memory_space<hbm>> -> memref<100000x128xf32, #tpu.memory_space<hbm>>
    tpu.wait_indirect_dma semaphore(%arg7 : memref<!tpu.dma_semaphore, #tpu.memory_space<semaphore_mem>>) src(%dma_wait3A_18 : memref<100000x128xf32, #tpu.memory_space<hbm>>) dst(%arg6 : memref<128x128xf32, #tpu.memory_space<vmem>>)
    "tpu.region"() ({
      %run_scoped3A = tpu.sem_alloc : memref<!tpu.dma_semaphore, #tpu.memory_space<semaphore_mem>>
      %dma_start3A_19 = arith.constant 0 : i32
      %dma_start3A_20 = tpu.memref_slice %arg4[%add3A_12, %dma_start3A_19] : memref<8192x128xf32, #tpu.memory_space<hbm>> -> memref<128x128xf32, #tpu.memory_space<hbm>>
      %dma_start3A_21 = arith.constant 0 : i32
      %dma_start3A_22 = tpu.memref_slice %arg4[%add3A_12, %dma_start3A_21] : memref<8192x128xf32, #tpu.memory_space<hbm>> -> memref<128x128xf32, #tpu.memory_space<hbm>>
      tpu.enqueue_dma source(%arg6 : memref<128x128xf32, #tpu.memory_space<vmem>>) target(%dma_start3A_22 : memref<128x128xf32, #tpu.memory_space<hbm>>) target_semaphore(%run_scoped3A : memref<!tpu.dma_semaphore, #tpu.memory_space<semaphore_mem>>)
      %dma_wait3A_23 = arith.constant 0 : i32
      %dma_wait3A_24 = tpu.memref_slice %arg4[%add3A_12, %dma_wait3A_23] : memref<8192x128xf32, #tpu.memory_space<hbm>> -> memref<128x128xf32, #tpu.memory_space<hbm>>
      %dma_wait3A_25 = arith.constant 0 : i32
      %dma_wait3A_26 = tpu.memref_slice %arg4[%add3A_12, %dma_wait3A_25] : memref<8192x128xf32, #tpu.memory_space<hbm>> -> memref<128x128xf32, #tpu.memory_space<hbm>>
      tpu.wait_dma2 semaphore(%run_scoped3A : memref<!tpu.dma_semaphore, #tpu.memory_space<semaphore_mem>>) src(%arg6 : memref<128x128xf32, #tpu.memory_space<vmem>>) dst(%dma_wait3A_26 : memref<128x128xf32, #tpu.memory_space<hbm>>)
      tpu.yield
    }) : () -> ()
    return
  }
}

#map = affine_map<(d0, d1) -> (0, 0)>
#map1 = affine_map<(d0, d1) -> (0)>
module attributes {stable_mosaic.version = 14 : i64} {
  func.func @gk(%arg0: i32, %arg1: i32, %arg2: memref<802816x128xf32, #tpu.memory_space<hbm>>, %arg3: memref<8192xi32, #tpu.memory_space<hbm>>, %arg4: memref<8192x128xf32, #tpu.memory_space<hbm>>, %arg5: memref<128xi32, #tpu.memory_space<vmem>>, %arg6: memref<128x128xf32, #tpu.memory_space<vmem>>, %arg7: memref<!tpu.dma_semaphore, #tpu.memory_space<semaphore_mem>>) attributes {dimension_semantics = [#tpu.dimension_semantics<core_parallel>, #tpu.dimension_semantics<subcore_parallel>], iteration_bounds = array<i64: 2, 16>, scalar_prefetch = 0 : i64, scratch_operands = 3 : i64, tpu.core_type = #tpu.core_type<sc_vector_subcore>, window_params = [{transform_indices = #map}, {transform_indices = #map1}, {transform_indices = #map}]} {
    %mul3A = arith.constant 2 : i32
    %mul3A_0 = arith.muli %arg1, %mul3A : i32
    %add3A = arith.addi %mul3A_0, %arg0 : i32
    %mul3A_1 = arith.constant 256 : i32
    %mul3A_2 = arith.muli %add3A, %mul3A_1 : i32
    %add3A_3 = arith.constant 0 : i32
    %add3A_4 = arith.addi %mul3A_2, %add3A_3 : i32
    "tpu.region"() ({
      %run_scoped3A = tpu.sem_alloc : memref<!tpu.dma_semaphore, #tpu.memory_space<semaphore_mem>>
      %dma_start3A_19 = tpu.memref_slice %arg3[%add3A_4] : memref<8192xi32, #tpu.memory_space<hbm>> -> memref<128xi32, #tpu.memory_space<hbm>>
      %dma_start3A_20 = tpu.memref_slice %arg3[%add3A_4] : memref<8192xi32, #tpu.memory_space<hbm>> -> memref<128xi32, #tpu.memory_space<hbm>>
      tpu.enqueue_dma source(%dma_start3A_20 : memref<128xi32, #tpu.memory_space<hbm>>) target(%arg5 : memref<128xi32, #tpu.memory_space<vmem>>) target_semaphore(%run_scoped3A : memref<!tpu.dma_semaphore, #tpu.memory_space<semaphore_mem>>)
      %dma_wait3A_21 = tpu.memref_slice %arg3[%add3A_4] : memref<8192xi32, #tpu.memory_space<hbm>> -> memref<128xi32, #tpu.memory_space<hbm>>
      %dma_wait3A_22 = tpu.memref_slice %arg3[%add3A_4] : memref<8192xi32, #tpu.memory_space<hbm>> -> memref<128xi32, #tpu.memory_space<hbm>>
      tpu.wait_dma2 semaphore(%run_scoped3A : memref<!tpu.dma_semaphore, #tpu.memory_space<semaphore_mem>>) src(%dma_wait3A_22 : memref<128xi32, #tpu.memory_space<hbm>>) dst(%arg5 : memref<128xi32, #tpu.memory_space<vmem>>)
      tpu.yield
    }) : () -> ()
    %dma_start3A = arith.constant 0 : i32
    %dma_start3A_5 = arith.constant 0 : i32
    %dma_start3A_6 = tpu.memref_slice %arg2[%dma_start3A, %dma_start3A_5] : memref<802816x128xf32, #tpu.memory_space<hbm>> -> memref<802816x128xf32, #tpu.memory_space<hbm>>
    tpu.enqueue_indirect_dma source(%dma_start3A_6 : memref<802816x128xf32, #tpu.memory_space<hbm>>) target(%arg6 : memref<128x128xf32, #tpu.memory_space<vmem>>) offsets(%arg5 : memref<128xi32, #tpu.memory_space<vmem>>) semaphore(%arg7 : memref<!tpu.dma_semaphore, #tpu.memory_space<semaphore_mem>>)
    %dma_wait3A = arith.constant 0 : i32
    %dma_wait3A_7 = arith.constant 0 : i32
    %dma_wait3A_8 = tpu.memref_slice %arg2[%dma_wait3A, %dma_wait3A_7] : memref<802816x128xf32, #tpu.memory_space<hbm>> -> memref<802816x128xf32, #tpu.memory_space<hbm>>
    tpu.wait_indirect_dma semaphore(%arg7 : memref<!tpu.dma_semaphore, #tpu.memory_space<semaphore_mem>>) src(%dma_wait3A_8 : memref<802816x128xf32, #tpu.memory_space<hbm>>) dst(%arg6 : memref<128x128xf32, #tpu.memory_space<vmem>>)
    "tpu.region"() ({
      %run_scoped3A = tpu.sem_alloc : memref<!tpu.dma_semaphore, #tpu.memory_space<semaphore_mem>>
      %dma_start3A_19 = arith.constant 0 : i32
      %dma_start3A_20 = tpu.memref_slice %arg4[%add3A_4, %dma_start3A_19] : memref<8192x128xf32, #tpu.memory_space<hbm>> -> memref<128x128xf32, #tpu.memory_space<hbm>>
      %dma_start3A_21 = arith.constant 0 : i32
      %dma_start3A_22 = tpu.memref_slice %arg4[%add3A_4, %dma_start3A_21] : memref<8192x128xf32, #tpu.memory_space<hbm>> -> memref<128x128xf32, #tpu.memory_space<hbm>>
      tpu.enqueue_dma source(%arg6 : memref<128x128xf32, #tpu.memory_space<vmem>>) target(%dma_start3A_22 : memref<128x128xf32, #tpu.memory_space<hbm>>) target_semaphore(%run_scoped3A : memref<!tpu.dma_semaphore, #tpu.memory_space<semaphore_mem>>)
      %dma_wait3A_23 = arith.constant 0 : i32
      %dma_wait3A_24 = tpu.memref_slice %arg4[%add3A_4, %dma_wait3A_23] : memref<8192x128xf32, #tpu.memory_space<hbm>> -> memref<128x128xf32, #tpu.memory_space<hbm>>
      %dma_wait3A_25 = arith.constant 0 : i32
      %dma_wait3A_26 = tpu.memref_slice %arg4[%add3A_4, %dma_wait3A_25] : memref<8192x128xf32, #tpu.memory_space<hbm>> -> memref<128x128xf32, #tpu.memory_space<hbm>>
      tpu.wait_dma2 semaphore(%run_scoped3A : memref<!tpu.dma_semaphore, #tpu.memory_space<semaphore_mem>>) src(%arg6 : memref<128x128xf32, #tpu.memory_space<vmem>>) dst(%dma_wait3A_26 : memref<128x128xf32, #tpu.memory_space<hbm>>)
      tpu.yield
    }) : () -> ()
    %mul3A_9 = arith.constant 256 : i32
    %mul3A_10 = arith.muli %add3A, %mul3A_9 : i32
    %add3A_11 = arith.constant 128 : i32
    %add3A_12 = arith.addi %mul3A_10, %add3A_11 : i32
    "tpu.region"() ({
      %run_scoped3A = tpu.sem_alloc : memref<!tpu.dma_semaphore, #tpu.memory_space<semaphore_mem>>
      %dma_start3A_19 = tpu.memref_slice %arg3[%add3A_12] : memref<8192xi32, #tpu.memory_space<hbm>> -> memref<128xi32, #tpu.memory_space<hbm>>
      %dma_start3A_20 = tpu.memref_slice %arg3[%add3A_12] : memref<8192xi32, #tpu.memory_space<hbm>> -> memref<128xi32, #tpu.memory_space<hbm>>
      tpu.enqueue_dma source(%dma_start3A_20 : memref<128xi32, #tpu.memory_space<hbm>>) target(%arg5 : memref<128xi32, #tpu.memory_space<vmem>>) target_semaphore(%run_scoped3A : memref<!tpu.dma_semaphore, #tpu.memory_space<semaphore_mem>>)
      %dma_wait3A_21 = tpu.memref_slice %arg3[%add3A_12] : memref<8192xi32, #tpu.memory_space<hbm>> -> memref<128xi32, #tpu.memory_space<hbm>>
      %dma_wait3A_22 = tpu.memref_slice %arg3[%add3A_12] : memref<8192xi32, #tpu.memory_space<hbm>> -> memref<128xi32, #tpu.memory_space<hbm>>
      tpu.wait_dma2 semaphore(%run_scoped3A : memref<!tpu.dma_semaphore, #tpu.memory_space<semaphore_mem>>) src(%dma_wait3A_22 : memref<128xi32, #tpu.memory_space<hbm>>) dst(%arg5 : memref<128xi32, #tpu.memory_space<vmem>>)
      tpu.yield
    }) : () -> ()
    %dma_start3A_13 = arith.constant 0 : i32
    %dma_start3A_14 = arith.constant 0 : i32
    %dma_start3A_15 = tpu.memref_slice %arg2[%dma_start3A_13, %dma_start3A_14] : memref<802816x128xf32, #tpu.memory_space<hbm>> -> memref<802816x128xf32, #tpu.memory_space<hbm>>
    tpu.enqueue_indirect_dma source(%dma_start3A_15 : memref<802816x128xf32, #tpu.memory_space<hbm>>) target(%arg6 : memref<128x128xf32, #tpu.memory_space<vmem>>) offsets(%arg5 : memref<128xi32, #tpu.memory_space<vmem>>) semaphore(%arg7 : memref<!tpu.dma_semaphore, #tpu.memory_space<semaphore_mem>>)
    %dma_wait3A_16 = arith.constant 0 : i32
    %dma_wait3A_17 = arith.constant 0 : i32
    %dma_wait3A_18 = tpu.memref_slice %arg2[%dma_wait3A_16, %dma_wait3A_17] : memref<802816x128xf32, #tpu.memory_space<hbm>> -> memref<802816x128xf32, #tpu.memory_space<hbm>>
    tpu.wait_indirect_dma semaphore(%arg7 : memref<!tpu.dma_semaphore, #tpu.memory_space<semaphore_mem>>) src(%dma_wait3A_18 : memref<802816x128xf32, #tpu.memory_space<hbm>>) dst(%arg6 : memref<128x128xf32, #tpu.memory_space<vmem>>)
    "tpu.region"() ({
      %run_scoped3A = tpu.sem_alloc : memref<!tpu.dma_semaphore, #tpu.memory_space<semaphore_mem>>
      %dma_start3A_19 = arith.constant 0 : i32
      %dma_start3A_20 = tpu.memref_slice %arg4[%add3A_12, %dma_start3A_19] : memref<8192x128xf32, #tpu.memory_space<hbm>> -> memref<128x128xf32, #tpu.memory_space<hbm>>
      %dma_start3A_21 = arith.constant 0 : i32
      %dma_start3A_22 = tpu.memref_slice %arg4[%add3A_12, %dma_start3A_21] : memref<8192x128xf32, #tpu.memory_space<hbm>> -> memref<128x128xf32, #tpu.memory_space<hbm>>
      tpu.enqueue_dma source(%arg6 : memref<128x128xf32, #tpu.memory_space<vmem>>) target(%dma_start3A_22 : memref<128x128xf32, #tpu.memory_space<hbm>>) target_semaphore(%run_scoped3A : memref<!tpu.dma_semaphore, #tpu.memory_space<semaphore_mem>>)
      %dma_wait3A_23 = arith.constant 0 : i32
      %dma_wait3A_24 = tpu.memref_slice %arg4[%add3A_12, %dma_wait3A_23] : memref<8192x128xf32, #tpu.memory_space<hbm>> -> memref<128x128xf32, #tpu.memory_space<hbm>>
      %dma_wait3A_25 = arith.constant 0 : i32
      %dma_wait3A_26 = tpu.memref_slice %arg4[%add3A_12, %dma_wait3A_25] : memref<8192x128xf32, #tpu.memory_space<hbm>> -> memref<128x128xf32, #tpu.memory_space<hbm>>
      tpu.wait_dma2 semaphore(%run_scoped3A : memref<!tpu.dma_semaphore, #tpu.memory_space<semaphore_mem>>) src(%arg6 : memref<128x128xf32, #tpu.memory_space<vmem>>) dst(%dma_wait3A_26 : memref<128x128xf32, #tpu.memory_space<hbm>>)
      tpu.yield
    }) : () -> ()
    return
  }
}

module attributes {stable_mosaic.version = 14 : i64} {
  func.func @body(%arg0: memref<1024x66xf32, #tpu.memory_space<vmem>>, %arg1: memref<66x128xf32, #tpu.memory_space<vmem>>, %arg2: memref<1x128xf32, #tpu.memory_space<vmem>>, %arg3: memref<1024x128xf32, #tpu.memory_space<vmem>>) attributes {dimension_semantics = [], scalar_prefetch = 0 : i64, scratch_operands = 0 : i64, tpu.core_type = #tpu.core_type<tc>} {
    %get3A = arith.constant 0 : index
    %get3A_0 = arith.constant 0 : index
    %get3A_1 = vector.load %arg0[%get3A, %get3A_0] : memref<1024x66xf32, #tpu.memory_space<vmem>>, vector<1024x66xf32>
    %convert_element_type3A = arith.truncf %get3A_1 : vector<1024x66xf32> to vector<1024x66xbf16>
    %get3A_2 = arith.constant 0 : index
    %get3A_3 = arith.constant 0 : index
    %get3A_4 = vector.load %arg1[%get3A_2, %get3A_3] : memref<66x128xf32, #tpu.memory_space<vmem>>, vector<66x128xf32>
    %convert_element_type3A_5 = arith.truncf %get3A_4 : vector<66x128xf32> to vector<66x128xbf16>
    %dot_general3A = arith.constant dense<0.000000e+00> : vector<1024x128xf32>
    %dot_general3A_6 = tpu.matmul %convert_element_type3A, %convert_element_type3A_5, %dot_general3A {dimension_numbers = #tpu.dot_dimension_numbers<[1], [0], [0], [1], [0, 0, 1, 1], [], []>, transpose_lhs_hint = false} : vector<1024x66xbf16>, vector<66x128xbf16>, vector<1024x128xf32> -> vector<1024x128xf32>
    %get3A_7 = arith.constant 0 : index
    %get3A_8 = arith.constant 0 : index
    %get3A_9 = vector.load %arg2[%get3A_7, %get3A_8] : memref<1x128xf32, #tpu.memory_space<vmem>>, vector<1x128xf32>
    %add3A = vector.broadcast %get3A_9 : vector<1x128xf32> to vector<1024x128xf32>
    %add3A_10 = arith.addf %dot_general3A_6, %add3A : vector<1024x128xf32>
    %swap3A = arith.constant 0 : index
    %swap3A_11 = arith.constant 0 : index
    %swap3A_12 = vector.load %arg3[%swap3A, %swap3A_11] : memref<1024x128xf32, #tpu.memory_space<vmem>>, vector<1024x128xf32>
    tpu.vector_store %arg3[%swap3A, %swap3A_11], %add3A_10 {strides = array<i32>} : memref<1024x128xf32, #tpu.memory_space<vmem>>, vector<1024x128xf32>,
    return
  }
}

module attributes {stable_mosaic.version = 14 : i64} {
  func.func @body(%arg0: i32, %arg1: memref<1024x128xbf16, #tpu.memory_space<vmem>>, %arg2: memref<2048x128xbf16, #tpu.memory_space<vmem>>, %arg3: memref<16384x128xf32, #tpu.memory_space<vmem>>, %arg4: memref<1x1024x16xf32, #tpu.memory_space<vmem>>) attributes {dimension_semantics = [#tpu.dimension_semantics<arbitrary>], iteration_bounds = array<i64: 49>, scalar_prefetch = 0 : i64, scratch_operands = 0 : i64, tpu.core_type = #tpu.core_type<tc>, window_params = [{pipeline_mode = #tpu.pipeline_mode<synchronous>, transform_indices = @transform_0, window_bounds = array<i64: 1024, 128>}, {transform_indices = @transform_1, window_bounds = array<i64: 2048, 128>}, {transform_indices = @transform_2, window_bounds = array<i64: 16384, 128>}, {transform_indices = @transform_3, window_bounds = array<i64: 1, 1024, 16>}]} {
    %get3A = arith.constant 0 : index
    %get3A_0 = arith.constant 0 : index
    %get3A_1 = vector.load %arg1[%get3A, %get3A_0] : memref<1024x128xbf16, #tpu.memory_space<vmem>>, vector<1024x128xbf16>
    %get3A_2 = arith.constant 0 : index
    %get3A_3 = arith.constant 0 : index
    %get3A_4 = vector.load %arg2[%get3A_2, %get3A_3] : memref<2048x128xbf16, #tpu.memory_space<vmem>>, vector<2048x128xbf16>
    %dot_general3A = arith.constant dense<0.000000e+00> : vector<1024x2048xf32>
    %dot_general3A_5 = tpu.matmul %get3A_1, %get3A_4, %dot_general3A {dimension_numbers = #tpu.dot_dimension_numbers<[1], [1], [0], [0], [0, 0, 1, 0], [], []>, transpose_lhs_hint = false} : vector<1024x128xbf16>, vector<2048x128xbf16>, vector<1024x2048xf32> -> vector<1024x2048xf32>
    %slice3A = vector.extract_strided_slice %dot_general3A_5 {offsets = [0, 0], sizes = [1024, 128], strides = [1, 1]} : vector<1024x2048xf32> to vector<1024x128xf32>
    %swap3A = arith.constant 0 : index
    %swap3A_6 = arith.constant 0 : index
    %swap3A_7 = vector.load %arg3[%swap3A, %swap3A_6] : memref<16384x128xf32, #tpu.memory_space<vmem>>, vector<1024x128xf32>
    tpu.vector_store %arg3[%swap3A, %swap3A_6], %slice3A {strides = array<i32>} : memref<16384x128xf32, #tpu.memory_space<vmem>>, vector<1024x128xf32>,
    %slice3A_8 = vector.extract_strided_slice %dot_general3A_5 {offsets = [0, 128], sizes = [1024, 128], strides = [1, 1]} : vector<1024x2048xf32> to vector<1024x128xf32>
    %swap3A_9 = arith.constant 1024 : index
    %swap3A_10 = arith.constant 0 : index
    %swap3A_11 = vector.load %arg3[%swap3A_9, %swap3A_10] : memref<16384x128xf32, #tpu.memory_space<vmem>>, vector<1024x128xf32>
    tpu.vector_store %arg3[%swap3A_9, %swap3A_10], %slice3A_8 {strides = array<i32>} : memref<16384x128xf32, #tpu.memory_space<vmem>>, vector<1024x128xf32>,
    %slice3A_12 = vector.extract_strided_slice %dot_general3A_5 {offsets = [0, 256], sizes = [1024, 128], strides = [1, 1]} : vector<1024x2048xf32> to vector<1024x128xf32>
    %swap3A_13 = arith.constant 2048 : index
    %swap3A_14 = arith.constant 0 : index
    %swap3A_15 = vector.load %arg3[%swap3A_13, %swap3A_14] : memref<16384x128xf32, #tpu.memory_space<vmem>>, vector<1024x128xf32>
    tpu.vector_store %arg3[%swap3A_13, %swap3A_14], %slice3A_12 {strides = array<i32>} : memref<16384x128xf32, #tpu.memory_space<vmem>>, vector<1024x128xf32>,
    %slice3A_16 = vector.extract_strided_slice %dot_general3A_5 {offsets = [0, 384], sizes = [1024, 128], strides = [1, 1]} : vector<1024x2048xf32> to vector<1024x128xf32>
    %swap3A_17 = arith.constant 3072 : index
    %swap3A_18 = arith.constant 0 : index
    %swap3A_19 = vector.load %arg3[%swap3A_17, %swap3A_18] : memref<16384x128xf32, #tpu.memory_space<vmem>>, vector<1024x128xf32>
    tpu.vector_store %arg3[%swap3A_17, %swap3A_18], %slice3A_16 {strides = array<i32>} : memref<16384x128xf32, #tpu.memory_space<vmem>>, vector<1024x128xf32>,
    %slice3A_20 = vector.extract_strided_slice %dot_general3A_5 {offsets = [0, 512], sizes = [1024, 128], strides = [1, 1]} : vector<1024x2048xf32> to vector<1024x128xf32>
    %swap3A_21 = arith.constant 4096 : index
    %swap3A_22 = arith.constant 0 : index
    %swap3A_23 = vector.load %arg3[%swap3A_21, %swap3A_22] : memref<16384x128xf32, #tpu.memory_space<vmem>>, vector<1024x128xf32>
    tpu.vector_store %arg3[%swap3A_21, %swap3A_22], %slice3A_20 {strides = array<i32>} : memref<16384x128xf32, #tpu.memory_space<vmem>>, vector<1024x128xf32>,
    %slice3A_24 = vector.extract_strided_slice %dot_general3A_5 {offsets = [0, 640], sizes = [1024, 128], strides = [1, 1]} : vector<1024x2048xf32> to vector<1024x128xf32>
    %swap3A_25 = arith.constant 5120 : index
    %swap3A_26 = arith.constant 0 : index
    %swap3A_27 = vector.load %arg3[%swap3A_25, %swap3A_26] : memref<16384x128xf32, #tpu.memory_space<vmem>>, vector<1024x128xf32>
    tpu.vector_store %arg3[%swap3A_25, %swap3A_26], %slice3A_24 {strides = array<i32>} : memref<16384x128xf32, #tpu.memory_space<vmem>>, vector<1024x128xf32>,
    %slice3A_28 = vector.extract_strided_slice %dot_general3A_5 {offsets = [0, 768], sizes = [1024, 128], strides = [1, 1]} : vector<1024x2048xf32> to vector<1024x128xf32>
    %swap3A_29 = arith.constant 6144 : index
    %swap3A_30 = arith.constant 0 : index
    %swap3A_31 = vector.load %arg3[%swap3A_29, %swap3A_30] : memref<16384x128xf32, #tpu.memory_space<vmem>>, vector<1024x128xf32>
    tpu.vector_store %arg3[%swap3A_29, %swap3A_30], %slice3A_28 {strides = array<i32>} : memref<16384x128xf32, #tpu.memory_space<vmem>>, vector<1024x128xf32>,
    %slice3A_32 = vector.extract_strided_slice %dot_general3A_5 {offsets = [0, 896], sizes = [1024, 128], strides = [1, 1]} : vector<1024x2048xf32> to vector<1024x128xf32>
    %swap3A_33 = arith.constant 7168 : index
    %swap3A_34 = arith.constant 0 : index
    %swap3A_35 = vector.load %arg3[%swap3A_33, %swap3A_34] : memref<16384x128xf32, #tpu.memory_space<vmem>>, vector<1024x128xf32>
    tpu.vector_store %arg3[%swap3A_33, %swap3A_34], %slice3A_32 {strides = array<i32>} : memref<16384x128xf32, #tpu.memory_space<vmem>>, vector<1024x128xf32>,
    %slice3A_36 = vector.extract_strided_slice %dot_general3A_5 {offsets = [0, 1024], sizes = [1024, 128], strides = [1, 1]} : vector<1024x2048xf32> to vector<1024x128xf32>
    %swap3A_37 = arith.constant 8192 : index
    %swap3A_38 = arith.constant 0 : index
    %swap3A_39 = vector.load %arg3[%swap3A_37, %swap3A_38] : memref<16384x128xf32, #tpu.memory_space<vmem>>, vector<1024x128xf32>
    tpu.vector_store %arg3[%swap3A_37, %swap3A_38], %slice3A_36 {strides = array<i32>} : memref<16384x128xf32, #tpu.memory_space<vmem>>, vector<1024x128xf32>,
    %slice3A_40 = vector.extract_strided_slice %dot_general3A_5 {offsets = [0, 1152], sizes = [1024, 128], strides = [1, 1]} : vector<1024x2048xf32> to vector<1024x128xf32>
    %swap3A_41 = arith.constant 9216 : index
    %swap3A_42 = arith.constant 0 : index
    %swap3A_43 = vector.load %arg3[%swap3A_41, %swap3A_42] : memref<16384x128xf32, #tpu.memory_space<vmem>>, vector<1024x128xf32>
    tpu.vector_store %arg3[%swap3A_41, %swap3A_42], %slice3A_40 {strides = array<i32>} : memref<16384x128xf32, #tpu.memory_space<vmem>>, vector<1024x128xf32>,
    %slice3A_44 = vector.extract_strided_slice %dot_general3A_5 {offsets = [0, 1280], sizes = [1024, 128], strides = [1, 1]} : vector<1024x2048xf32> to vector<1024x128xf32>
    %swap3A_45 = arith.constant 10240 : index
    %swap3A_46 = arith.constant 0 : index
    %swap3A_47 = vector.load %arg3[%swap3A_45, %swap3A_46] : memref<16384x128xf32, #tpu.memory_space<vmem>>, vector<1024x128xf32>
    tpu.vector_store %arg3[%swap3A_45, %swap3A_46], %slice3A_44 {strides = array<i32>} : memref<16384x128xf32, #tpu.memory_space<vmem>>, vector<1024x128xf32>,
    %slice3A_48 = vector.extract_strided_slice %dot_general3A_5 {offsets = [0, 1408], sizes = [1024, 128], strides = [1, 1]} : vector<1024x2048xf32> to vector<1024x128xf32>
    %swap3A_49 = arith.constant 11264 : index
    %swap3A_50 = arith.constant 0 : index
    %swap3A_51 = vector.load %arg3[%swap3A_49, %swap3A_50] : memref<16384x128xf32, #tpu.memory_space<vmem>>, vector<1024x128xf32>
    tpu.vector_store %arg3[%swap3A_49, %swap3A_50], %slice3A_48 {strides = array<i32>} : memref<16384x128xf32, #tpu.memory_space<vmem>>, vector<1024x128xf32>,
    %slice3A_52 = vector.extract_strided_slice %dot_general3A_5 {offsets = [0, 1536], sizes = [1024, 128], strides = [1, 1]} : vector<1024x2048xf32> to vector<1024x128xf32>
    %swap3A_53 = arith.constant 12288 : index
    %swap3A_54 = arith.constant 0 : index
    %swap3A_55 = vector.load %arg3[%swap3A_53, %swap3A_54] : memref<16384x128xf32, #tpu.memory_space<vmem>>, vector<1024x128xf32>
    tpu.vector_store %arg3[%swap3A_53, %swap3A_54], %slice3A_52 {strides = array<i32>} : memref<16384x128xf32, #tpu.memory_space<vmem>>, vector<1024x128xf32>,
    %slice3A_56 = vector.extract_strided_slice %dot_general3A_5 {offsets = [0, 1664], sizes = [1024, 128], strides = [1, 1]} : vector<1024x2048xf32> to vector<1024x128xf32>
    %swap3A_57 = arith.constant 13312 : index
    %swap3A_58 = arith.constant 0 : index
    %swap3A_59 = vector.load %arg3[%swap3A_57, %swap3A_58] : memref<16384x128xf32, #tpu.memory_space<vmem>>, vector<1024x128xf32>
    tpu.vector_store %arg3[%swap3A_57, %swap3A_58], %slice3A_56 {strides = array<i32>} : memref<16384x128xf32, #tpu.memory_space<vmem>>, vector<1024x128xf32>,
    %slice3A_60 = vector.extract_strided_slice %dot_general3A_5 {offsets = [0, 1792], sizes = [1024, 128], strides = [1, 1]} : vector<1024x2048xf32> to vector<1024x128xf32>
    %swap3A_61 = arith.constant 14336 : index
    %swap3A_62 = arith.constant 0 : index
    %swap3A_63 = vector.load %arg3[%swap3A_61, %swap3A_62] : memref<16384x128xf32, #tpu.memory_space<vmem>>, vector<1024x128xf32>
    tpu.vector_store %arg3[%swap3A_61, %swap3A_62], %slice3A_60 {strides = array<i32>} : memref<16384x128xf32, #tpu.memory_space<vmem>>, vector<1024x128xf32>,
    %slice3A_64 = vector.extract_strided_slice %dot_general3A_5 {offsets = [0, 1920], sizes = [1024, 128], strides = [1, 1]} : vector<1024x2048xf32> to vector<1024x128xf32>
    %swap3A_65 = arith.constant 15360 : index
    %swap3A_66 = arith.constant 0 : index
    %swap3A_67 = vector.load %arg3[%swap3A_65, %swap3A_66] : memref<16384x128xf32, #tpu.memory_space<vmem>>, vector<1024x128xf32>
    tpu.vector_store %arg3[%swap3A_65, %swap3A_66], %slice3A_64 {strides = array<i32>} : memref<16384x128xf32, #tpu.memory_space<vmem>>, vector<1024x128xf32>,
    %lt3A = arith.constant 48 : i32
    %lt3A_68 = arith.cmpi slt, %arg0, %lt3A : i32
    %convert_element_type3A = arith.extui %lt3A_68 : i1 to i32
    %cond3A = arith.constant 0 : i32
    %cond3A_69 = arith.cmpi ne, %convert_element_type3A, %cond3A : i32
    scf.if %cond3A_69 {
      %reshape3A = vector.shape_cast %dot_general3A_5 : vector<1024x2048xf32> to vector<1024x16x128xf32>
      %reduce_max3A = arith.constant dense<0xFF800000> : vector<1024x16xf32>
      %reduce_max3A_74 = vector.multi_reduction <maximumf>, %reshape3A, %reduce_max3A [2] : vector<1024x16x128xf32> to vector<1024x16xf32>
      %reshape3A_75 = vector.shape_cast %reduce_max3A_74 : vector<1024x16xf32> to vector<1x1024x16xf32>
      %swap3A_76 = arith.constant 0 : index
      %swap3A_77 = arith.constant 0 : index
      %swap3A_78 = arith.constant 0 : index
      %swap3A_79 = vector.load %arg4[%swap3A_76, %swap3A_77, %swap3A_78] : memref<1x1024x16xf32, #tpu.memory_space<vmem>>, vector<1x1024x16xf32>
      tpu.vector_store %arg4[%swap3A_76, %swap3A_77, %swap3A_78], %reshape3A_75 {strides = array<i32>} : memref<1x1024x16xf32, #tpu.memory_space<vmem>>, vector<1x1024x16xf32>,
    } else {
    }
    %eq3A = arith.constant 48 : i32
    %eq3A_70 = arith.cmpi eq, %arg0, %eq3A : i32
    %convert_element_type3A_71 = arith.extui %eq3A_70 : i1 to i32
    %cond3A_72 = arith.constant 0 : i32
    %cond3A_73 = arith.cmpi ne, %convert_element_type3A_71, %cond3A_72 : i32
    scf.if %cond3A_73 {
      %iota3A = tpu.iota {dimensions = array<i32: 1>} : vector<1x2048xi32>
      %mul3A = arith.constant 2048 : i32
      %mul3A_74 = arith.muli %arg0, %mul3A : i32
      %add3A = vector.broadcast %mul3A_74 : i32 to vector<1x2048xi32>
      %add3A_75 = arith.addi %iota3A, %add3A : vector<1x2048xi32>
      %lt3A_76 = arith.constant 100000 : i32
      %lt3A_77 = vector.broadcast %lt3A_76 : i32 to vector<1x2048xi32>
      %lt3A_78 = arith.cmpi slt, %add3A_75, %lt3A_77 : vector<1x2048xi32>
      %jit3A = arith.constant 0xFF800000 : f32
      %broadcast_in_dim3A = vector.shape_cast %lt3A_78 : vector<1x2048xi1> to vector<1x2048xi1>
      %broadcast_in_dim3A_79 = vector.broadcast %broadcast_in_dim3A : vector<1x2048xi1> to vector<1024x2048xi1>
      %broadcast_in_dim3A_80 = vector.broadcast %jit3A : f32 to vector<1024x2048xf32>
      %select_n3A = arith.select %broadcast_in_dim3A_79, %dot_general3A_5, %broadcast_in_dim3A_80 : vector<1024x2048xi1>, vector<1024x2048xf32>
      %reshape3A = vector.shape_cast %select_n3A : vector<1024x2048xf32> to vector<1024x16x128xf32>
      %reduce_max3A = arith.constant dense<0xFF800000> : vector<1024x16xf32>
      %reduce_max3A_81 = vector.multi_reduction <maximumf>, %reshape3A, %reduce_max3A [2] : vector<1024x16x128xf32> to vector<1024x16xf32>
      %reshape3A_82 = vector.shape_cast %reduce_max3A_81 : vector<1024x16xf32> to vector<1x1024x16xf32>
      %swap3A_83 = arith.constant 0 : index
      %swap3A_84 = arith.constant 0 : index
      %swap3A_85 = arith.constant 0 : index
      %swap3A_86 = vector.load %arg4[%swap3A_83, %swap3A_84, %swap3A_85] : memref<1x1024x16xf32, #tpu.memory_space<vmem>>, vector<1x1024x16xf32>
      tpu.vector_store %arg4[%swap3A_83, %swap3A_84, %swap3A_85], %reshape3A_82 {strides = array<i32>} : memref<1x1024x16xf32, #tpu.memory_space<vmem>>, vector<1x1024x16xf32>,
    } else {
    }
    return
  }
  func.func @transform_0(%arg0: i32) -> (i32, i32) {
    %c0_i32 = arith.constant 0 : i32
    %c0_i32_0 = arith.constant 0 : i32
    %c0_i32_1 = arith.constant 0 : i32
    return %c0_i32, %c0_i32_0 : i32, i32
  }
  func.func @transform_1(%arg0: i32) -> (i32, i32) {
    %c0_i32 = arith.constant 0 : i32
    %c0_i32_0 = arith.constant 0 : i32
    return %arg0, %c0_i32 : i32, i32
  }
  func.func @transform_2(%arg0: i32) -> (i32, i32) {
    %c0_i32 = arith.constant 0 : i32
    %c0_i32_0 = arith.constant 0 : i32
    return %arg0, %c0_i32 : i32, i32
  }
  func.func @transform_3(%arg0: i32) -> (i32, i32, i32) {
    %c0_i32 = arith.constant 0 : i32
    %c0_i32_0 = arith.constant 0 : i32
    %c0_i32_1 = arith.constant 0 : i32
    return %arg0, %c0_i32, %c0_i32_0 : i32, i32, i32
  }
}

module attributes {stable_mosaic.version = 14 : i64} {
  func.func @body(%arg0: i32, %arg1: memref<128x784xf32, #tpu.memory_space<vmem>>, %arg2: memref<128x8xi32, #tpu.memory_space<vmem>>) attributes {dimension_semantics = [#tpu.dimension_semantics<arbitrary>], iteration_bounds = array<i64: 8>, scalar_prefetch = 0 : i64, scratch_operands = 0 : i64, tpu.core_type = #tpu.core_type<tc>, window_params = [{transform_indices = @transform_0, window_bounds = array<i64: 128, 784>}, {transform_indices = @transform_1, window_bounds = array<i64: 128, 8>}]} {
    %get3A = arith.constant 0 : index
    %get3A_0 = arith.constant 0 : index
    %get3A_1 = vector.load %arg1[%get3A, %get3A_0] : memref<128x784xf32, #tpu.memory_space<vmem>>, vector<128x784xf32>
    %iota3A = tpu.iota {dimensions = array<i32: 1>} : vector<128x784xi32>
    %reduce_max3A = arith.constant dense<0xFF800000> : vector<128xf32>
    %reduce_max3A_2 = vector.multi_reduction <maximumf>, %get3A_1, %reduce_max3A [1] : vector<128x784xf32> to vector<128xf32>
    %broadcast_in_dim3A = vector.shape_cast %reduce_max3A_2 : vector<128xf32> to vector<128x1xf32>
    %ge3A = vector.broadcast %broadcast_in_dim3A : vector<128x1xf32> to vector<128x784xf32>
    %ge3A_3 = arith.cmpf oge, %get3A_1, %ge3A : vector<128x784xf32>
    %jit3A = arith.constant 784 : i32
    %broadcast_in_dim3A_4 = vector.broadcast %jit3A : i32 to vector<128x784xi32>
    %select_n3A = arith.select %ge3A_3, %iota3A, %broadcast_in_dim3A_4 : vector<128x784xi1>, vector<128x784xi32>
    %reduce_min3A = arith.constant dense<2147483647> : vector<128xi32>
    %reduce_min3A_5 = vector.multi_reduction <minsi>, %select_n3A, %reduce_min3A [1] : vector<128x784xi32> to vector<128xi32>
    %broadcast_in_dim3A_6 = vector.shape_cast %reduce_min3A_5 : vector<128xi32> to vector<128x1xi32>
    %eq3A = vector.broadcast %broadcast_in_dim3A_6 : vector<128x1xi32> to vector<128x784xi32>
    %eq3A_7 = arith.cmpi eq, %iota3A, %eq3A : vector<128x784xi32>
    %jit3A_8 = arith.constant 0xFF800000 : f32
    %broadcast_in_dim3A_9 = vector.broadcast %jit3A_8 : f32 to vector<128x784xf32>
    %select_n3A_10 = arith.select %eq3A_7, %broadcast_in_dim3A_9, %get3A_1 : vector<128x784xi1>, vector<128x784xf32>
    %reduce_max3A_11 = arith.constant dense<0xFF800000> : vector<128xf32>
    %reduce_max3A_12 = vector.multi_reduction <maximumf>, %select_n3A_10, %reduce_max3A_11 [1] : vector<128x784xf32> to vector<128xf32>
    %broadcast_in_dim3A_13 = vector.shape_cast %reduce_max3A_12 : vector<128xf32> to vector<128x1xf32>
    %ge3A_14 = vector.broadcast %broadcast_in_dim3A_13 : vector<128x1xf32> to vector<128x784xf32>
    %ge3A_15 = arith.cmpf oge, %select_n3A_10, %ge3A_14 : vector<128x784xf32>
    %jit3A_16 = arith.constant 784 : i32
    %broadcast_in_dim3A_17 = vector.broadcast %jit3A_16 : i32 to vector<128x784xi32>
    %select_n3A_18 = arith.select %ge3A_15, %iota3A, %broadcast_in_dim3A_17 : vector<128x784xi1>, vector<128x784xi32>
    %reduce_min3A_19 = arith.constant dense<2147483647> : vector<128xi32>
    %reduce_min3A_20 = vector.multi_reduction <minsi>, %select_n3A_18, %reduce_min3A_19 [1] : vector<128x784xi32> to vector<128xi32>
    %broadcast_in_dim3A_21 = vector.shape_cast %reduce_min3A_20 : vector<128xi32> to vector<128x1xi32>
    %eq3A_22 = vector.broadcast %broadcast_in_dim3A_21 : vector<128x1xi32> to vector<128x784xi32>
    %eq3A_23 = arith.cmpi eq, %iota3A, %eq3A_22 : vector<128x784xi32>
    %jit3A_24 = arith.constant 0xFF800000 : f32
    %broadcast_in_dim3A_25 = vector.broadcast %jit3A_24 : f32 to vector<128x784xf32>
    %select_n3A_26 = arith.select %eq3A_23, %broadcast_in_dim3A_25, %select_n3A_10 : vector<128x784xi1>, vector<128x784xf32>
    %reduce_max3A_27 = arith.constant dense<0xFF800000> : vector<128xf32>
    %reduce_max3A_28 = vector.multi_reduction <maximumf>, %select_n3A_26, %reduce_max3A_27 [1] : vector<128x784xf32> to vector<128xf32>
    %broadcast_in_dim3A_29 = vector.shape_cast %reduce_max3A_28 : vector<128xf32> to vector<128x1xf32>
    %ge3A_30 = vector.broadcast %broadcast_in_dim3A_29 : vector<128x1xf32> to vector<128x784xf32>
    %ge3A_31 = arith.cmpf oge, %select_n3A_26, %ge3A_30 : vector<128x784xf32>
    %jit3A_32 = arith.constant 784 : i32
    %broadcast_in_dim3A_33 = vector.broadcast %jit3A_32 : i32 to vector<128x784xi32>
    %select_n3A_34 = arith.select %ge3A_31, %iota3A, %broadcast_in_dim3A_33 : vector<128x784xi1>, vector<128x784xi32>
    %reduce_min3A_35 = arith.constant dense<2147483647> : vector<128xi32>
    %reduce_min3A_36 = vector.multi_reduction <minsi>, %select_n3A_34, %reduce_min3A_35 [1] : vector<128x784xi32> to vector<128xi32>
    %broadcast_in_dim3A_37 = vector.shape_cast %reduce_min3A_36 : vector<128xi32> to vector<128x1xi32>
    %eq3A_38 = vector.broadcast %broadcast_in_dim3A_37 : vector<128x1xi32> to vector<128x784xi32>
    %eq3A_39 = arith.cmpi eq, %iota3A, %eq3A_38 : vector<128x784xi32>
    %jit3A_40 = arith.constant 0xFF800000 : f32
    %broadcast_in_dim3A_41 = vector.broadcast %jit3A_40 : f32 to vector<128x784xf32>
    %select_n3A_42 = arith.select %eq3A_39, %broadcast_in_dim3A_41, %select_n3A_26 : vector<128x784xi1>, vector<128x784xf32>
    %reduce_max3A_43 = arith.constant dense<0xFF800000> : vector<128xf32>
    %reduce_max3A_44 = vector.multi_reduction <maximumf>, %select_n3A_42, %reduce_max3A_43 [1] : vector<128x784xf32> to vector<128xf32>
    %broadcast_in_dim3A_45 = vector.shape_cast %reduce_max3A_44 : vector<128xf32> to vector<128x1xf32>
    %ge3A_46 = vector.broadcast %broadcast_in_dim3A_45 : vector<128x1xf32> to vector<128x784xf32>
    %ge3A_47 = arith.cmpf oge, %select_n3A_42, %ge3A_46 : vector<128x784xf32>
    %jit3A_48 = arith.constant 784 : i32
    %broadcast_in_dim3A_49 = vector.broadcast %jit3A_48 : i32 to vector<128x784xi32>
    %select_n3A_50 = arith.select %ge3A_47, %iota3A, %broadcast_in_dim3A_49 : vector<128x784xi1>, vector<128x784xi32>
    %reduce_min3A_51 = arith.constant dense<2147483647> : vector<128xi32>
    %reduce_min3A_52 = vector.multi_reduction <minsi>, %select_n3A_50, %reduce_min3A_51 [1] : vector<128x784xi32> to vector<128xi32>
    %broadcast_in_dim3A_53 = vector.shape_cast %reduce_min3A_52 : vector<128xi32> to vector<128x1xi32>
    %eq3A_54 = vector.broadcast %broadcast_in_dim3A_53 : vector<128x1xi32> to vector<128x784xi32>
    %eq3A_55 = arith.cmpi eq, %iota3A, %eq3A_54 : vector<128x784xi32>
    %jit3A_56 = arith.constant 0xFF800000 : f32
    %broadcast_in_dim3A_57 = vector.broadcast %jit3A_56 : f32 to vector<128x784xf32>
    %select_n3A_58 = arith.select %eq3A_55, %broadcast_in_dim3A_57, %select_n3A_42 : vector<128x784xi1>, vector<128x784xf32>
    %reduce_max3A_59 = arith.constant dense<0xFF800000> : vector<128xf32>
    %reduce_max3A_60 = vector.multi_reduction <maximumf>, %select_n3A_58, %reduce_max3A_59 [1] : vector<128x784xf32> to vector<128xf32>
    %broadcast_in_dim3A_61 = vector.shape_cast %reduce_max3A_60 : vector<128xf32> to vector<128x1xf32>
    %ge3A_62 = vector.broadcast %broadcast_in_dim3A_61 : vector<128x1xf32> to vector<128x784xf32>
    %ge3A_63 = arith.cmpf oge, %select_n3A_58, %ge3A_62 : vector<128x784xf32>
    %jit3A_64 = arith.constant 784 : i32
    %broadcast_in_dim3A_65 = vector.broadcast %jit3A_64 : i32 to vector<128x784xi32>
    %select_n3A_66 = arith.select %ge3A_63, %iota3A, %broadcast_in_dim3A_65 : vector<128x784xi1>, vector<128x784xi32>
    %reduce_min3A_67 = arith.constant dense<2147483647> : vector<128xi32>
    %reduce_min3A_68 = vector.multi_reduction <minsi>, %select_n3A_66, %reduce_min3A_67 [1] : vector<128x784xi32> to vector<128xi32>
    %broadcast_in_dim3A_69 = vector.shape_cast %reduce_min3A_68 : vector<128xi32> to vector<128x1xi32>
    %eq3A_70 = vector.broadcast %broadcast_in_dim3A_69 : vector<128x1xi32> to vector<128x784xi32>
    %eq3A_71 = arith.cmpi eq, %iota3A, %eq3A_70 : vector<128x784xi32>
    %jit3A_72 = arith.constant 0xFF800000 : f32
    %broadcast_in_dim3A_73 = vector.broadcast %jit3A_72 : f32 to vector<128x784xf32>
    %select_n3A_74 = arith.select %eq3A_71, %broadcast_in_dim3A_73, %select_n3A_58 : vector<128x784xi1>, vector<128x784xf32>
    %reduce_max3A_75 = arith.constant dense<0xFF800000> : vector<128xf32>
    %reduce_max3A_76 = vector.multi_reduction <maximumf>, %select_n3A_74, %reduce_max3A_75 [1] : vector<128x784xf32> to vector<128xf32>
    %broadcast_in_dim3A_77 = vector.shape_cast %reduce_max3A_76 : vector<128xf32> to vector<128x1xf32>
    %ge3A_78 = vector.broadcast %broadcast_in_dim3A_77 : vector<128x1xf32> to vector<128x784xf32>
    %ge3A_79 = arith.cmpf oge, %select_n3A_74, %ge3A_78 : vector<128x784xf32>
    %jit3A_80 = arith.constant 784 : i32
    %broadcast_in_dim3A_81 = vector.broadcast %jit3A_80 : i32 to vector<128x784xi32>
    %select_n3A_82 = arith.select %ge3A_79, %iota3A, %broadcast_in_dim3A_81 : vector<128x784xi1>, vector<128x784xi32>
    %reduce_min3A_83 = arith.constant dense<2147483647> : vector<128xi32>
    %reduce_min3A_84 = vector.multi_reduction <minsi>, %select_n3A_82, %reduce_min3A_83 [1] : vector<128x784xi32> to vector<128xi32>
    %broadcast_in_dim3A_85 = vector.shape_cast %reduce_min3A_84 : vector<128xi32> to vector<128x1xi32>
    %eq3A_86 = vector.broadcast %broadcast_in_dim3A_85 : vector<128x1xi32> to vector<128x784xi32>
    %eq3A_87 = arith.cmpi eq, %iota3A, %eq3A_86 : vector<128x784xi32>
    %jit3A_88 = arith.constant 0xFF800000 : f32
    %broadcast_in_dim3A_89 = vector.broadcast %jit3A_88 : f32 to vector<128x784xf32>
    %select_n3A_90 = arith.select %eq3A_87, %broadcast_in_dim3A_89, %select_n3A_74 : vector<128x784xi1>, vector<128x784xf32>
    %reduce_max3A_91 = arith.constant dense<0xFF800000> : vector<128xf32>
    %reduce_max3A_92 = vector.multi_reduction <maximumf>, %select_n3A_90, %reduce_max3A_91 [1] : vector<128x784xf32> to vector<128xf32>
    %broadcast_in_dim3A_93 = vector.shape_cast %reduce_max3A_92 : vector<128xf32> to vector<128x1xf32>
    %ge3A_94 = vector.broadcast %broadcast_in_dim3A_93 : vector<128x1xf32> to vector<128x784xf32>
    %ge3A_95 = arith.cmpf oge, %select_n3A_90, %ge3A_94 : vector<128x784xf32>
    %jit3A_96 = arith.constant 784 : i32
    %broadcast_in_dim3A_97 = vector.broadcast %jit3A_96 : i32 to vector<128x784xi32>
    %select_n3A_98 = arith.select %ge3A_95, %iota3A, %broadcast_in_dim3A_97 : vector<128x784xi1>, vector<128x784xi32>
    %reduce_min3A_99 = arith.constant dense<2147483647> : vector<128xi32>
    %reduce_min3A_100 = vector.multi_reduction <minsi>, %select_n3A_98, %reduce_min3A_99 [1] : vector<128x784xi32> to vector<128xi32>
    %broadcast_in_dim3A_101 = vector.shape_cast %reduce_min3A_100 : vector<128xi32> to vector<128x1xi32>
    %eq3A_102 = vector.broadcast %broadcast_in_dim3A_101 : vector<128x1xi32> to vector<128x784xi32>
    %eq3A_103 = arith.cmpi eq, %iota3A, %eq3A_102 : vector<128x784xi32>
    %jit3A_104 = arith.constant 0xFF800000 : f32
    %broadcast_in_dim3A_105 = vector.broadcast %jit3A_104 : f32 to vector<128x784xf32>
    %select_n3A_106 = arith.select %eq3A_103, %broadcast_in_dim3A_105, %select_n3A_90 : vector<128x784xi1>, vector<128x784xf32>
    %reduce_max3A_107 = arith.constant dense<0xFF800000> : vector<128xf32>
    %reduce_max3A_108 = vector.multi_reduction <maximumf>, %select_n3A_106, %reduce_max3A_107 [1] : vector<128x784xf32> to vector<128xf32>
    %broadcast_in_dim3A_109 = vector.shape_cast %reduce_max3A_108 : vector<128xf32> to vector<128x1xf32>
    %ge3A_110 = vector.broadcast %broadcast_in_dim3A_109 : vector<128x1xf32> to vector<128x784xf32>
    %ge3A_111 = arith.cmpf oge, %select_n3A_106, %ge3A_110 : vector<128x784xf32>
    %jit3A_112 = arith.constant 784 : i32
    %broadcast_in_dim3A_113 = vector.broadcast %jit3A_112 : i32 to vector<128x784xi32>
    %select_n3A_114 = arith.select %ge3A_111, %iota3A, %broadcast_in_dim3A_113 : vector<128x784xi1>, vector<128x784xi32>
    %reduce_min3A_115 = arith.constant dense<2147483647> : vector<128xi32>
    %reduce_min3A_116 = vector.multi_reduction <minsi>, %select_n3A_114, %reduce_min3A_115 [1] : vector<128x784xi32> to vector<128xi32>
    %broadcast_in_dim3A_117 = vector.shape_cast %reduce_min3A_116 : vector<128xi32> to vector<128x1xi32>
    %concatenate3A = tpu.concatenate %broadcast_in_dim3A_6, %broadcast_in_dim3A_21, %broadcast_in_dim3A_37, %broadcast_in_dim3A_53, %broadcast_in_dim3A_69, %broadcast_in_dim3A_85, %broadcast_in_dim3A_101, %broadcast_in_dim3A_117 in 1 : vector<128x1xi32>, vector<128x1xi32>, vector<128x1xi32>, vector<128x1xi32>, vector<128x1xi32>, vector<128x1xi32>, vector<128x1xi32>, vector<128x1xi32> -> vector<128x8xi32>
    %swap3A = arith.constant 0 : index
    %swap3A_118 = arith.constant 0 : index
    %swap3A_119 = vector.load %arg2[%swap3A, %swap3A_118] : memref<128x8xi32, #tpu.memory_space<vmem>>, vector<128x8xi32>
    tpu.vector_store %arg2[%swap3A, %swap3A_118], %concatenate3A {strides = array<i32>} : memref<128x8xi32, #tpu.memory_space<vmem>>, vector<128x8xi32>,
    return
  }
  func.func @transform_0(%arg0: i32) -> (i32, i32) {
    %c0_i32 = arith.constant 0 : i32
    %c0_i32_0 = arith.constant 0 : i32
    return %arg0, %c0_i32 : i32, i32
  }
  func.func @transform_1(%arg0: i32) -> (i32, i32) {
    %c0_i32 = arith.constant 0 : i32
    %c0_i32_0 = arith.constant 0 : i32
    return %arg0, %c0_i32 : i32, i32
  }
}

module attributes {stable_mosaic.version = 14 : i64} {
  func.func @body(%arg0: i32, %arg1: memref<128x1024xf32, #tpu.memory_space<vmem>>, %arg2: memref<128x8xi32, #tpu.memory_space<vmem>>, %arg3: memref<128x8xf32, #tpu.memory_space<vmem>>, %arg4: memref<128x8xi32, #tpu.memory_space<vmem>>) attributes {dimension_semantics = [#tpu.dimension_semantics<arbitrary>], iteration_bounds = array<i64: 8>, scalar_prefetch = 0 : i64, scratch_operands = 0 : i64, tpu.core_type = #tpu.core_type<tc>, window_params = [{transform_indices = @transform_0, window_bounds = array<i64: 128, 1024>}, {transform_indices = @transform_1, window_bounds = array<i64: 128, 8>}, {transform_indices = @transform_2, window_bounds = array<i64: 128, 8>}, {transform_indices = @transform_3, window_bounds = array<i64: 128, 8>}]} {
    %get3A = arith.constant 0 : index
    %get3A_0 = arith.constant 0 : index
    %get3A_1 = vector.load %arg1[%get3A, %get3A_0] : memref<128x1024xf32, #tpu.memory_space<vmem>>, vector<128x1024xf32>
    %get3A_2 = arith.constant 0 : index
    %get3A_3 = arith.constant 0 : index
    %get3A_4 = vector.load %arg2[%get3A_2, %get3A_3] : memref<128x8xi32, #tpu.memory_space<vmem>>, vector<128x8xi32>
    %iota3A = tpu.iota {dimensions = array<i32: 1>} : vector<128x128xi32>
    %slice3A = vector.extract_strided_slice %get3A_4 {offsets = [0, 0], sizes = [128, 1], strides = [1, 1]} : vector<128x8xi32> to vector<128x1xi32>
    %mul3A = arith.constant 128 : i32
    %mul3A_5 = vector.broadcast %mul3A : i32 to vector<128x1xi32>
    %mul3A_6 = arith.muli %slice3A, %mul3A_5 : vector<128x1xi32>
    %add3A = vector.broadcast %mul3A_6 : vector<128x1xi32> to vector<128x128xi32>
    %add3A_7 = arith.addi %add3A, %iota3A : vector<128x128xi32>
    %slice3A_8 = vector.extract_strided_slice %get3A_4 {offsets = [0, 1], sizes = [128, 1], strides = [1, 1]} : vector<128x8xi32> to vector<128x1xi32>
    %mul3A_9 = arith.constant 128 : i32
    %mul3A_10 = vector.broadcast %mul3A_9 : i32 to vector<128x1xi32>
    %mul3A_11 = arith.muli %slice3A_8, %mul3A_10 : vector<128x1xi32>
    %add3A_12 = vector.broadcast %mul3A_11 : vector<128x1xi32> to vector<128x128xi32>
    %add3A_13 = arith.addi %add3A_12, %iota3A : vector<128x128xi32>
    %slice3A_14 = vector.extract_strided_slice %get3A_4 {offsets = [0, 2], sizes = [128, 1], strides = [1, 1]} : vector<128x8xi32> to vector<128x1xi32>
    %mul3A_15 = arith.constant 128 : i32
    %mul3A_16 = vector.broadcast %mul3A_15 : i32 to vector<128x1xi32>
    %mul3A_17 = arith.muli %slice3A_14, %mul3A_16 : vector<128x1xi32>
    %add3A_18 = vector.broadcast %mul3A_17 : vector<128x1xi32> to vector<128x128xi32>
    %add3A_19 = arith.addi %add3A_18, %iota3A : vector<128x128xi32>
    %slice3A_20 = vector.extract_strided_slice %get3A_4 {offsets = [0, 3], sizes = [128, 1], strides = [1, 1]} : vector<128x8xi32> to vector<128x1xi32>
    %mul3A_21 = arith.constant 128 : i32
    %mul3A_22 = vector.broadcast %mul3A_21 : i32 to vector<128x1xi32>
    %mul3A_23 = arith.muli %slice3A_20, %mul3A_22 : vector<128x1xi32>
    %add3A_24 = vector.broadcast %mul3A_23 : vector<128x1xi32> to vector<128x128xi32>
    %add3A_25 = arith.addi %add3A_24, %iota3A : vector<128x128xi32>
    %slice3A_26 = vector.extract_strided_slice %get3A_4 {offsets = [0, 4], sizes = [128, 1], strides = [1, 1]} : vector<128x8xi32> to vector<128x1xi32>
    %mul3A_27 = arith.constant 128 : i32
    %mul3A_28 = vector.broadcast %mul3A_27 : i32 to vector<128x1xi32>
    %mul3A_29 = arith.muli %slice3A_26, %mul3A_28 : vector<128x1xi32>
    %add3A_30 = vector.broadcast %mul3A_29 : vector<128x1xi32> to vector<128x128xi32>
    %add3A_31 = arith.addi %add3A_30, %iota3A : vector<128x128xi32>
    %slice3A_32 = vector.extract_strided_slice %get3A_4 {offsets = [0, 5], sizes = [128, 1], strides = [1, 1]} : vector<128x8xi32> to vector<128x1xi32>
    %mul3A_33 = arith.constant 128 : i32
    %mul3A_34 = vector.broadcast %mul3A_33 : i32 to vector<128x1xi32>
    %mul3A_35 = arith.muli %slice3A_32, %mul3A_34 : vector<128x1xi32>
    %add3A_36 = vector.broadcast %mul3A_35 : vector<128x1xi32> to vector<128x128xi32>
    %add3A_37 = arith.addi %add3A_36, %iota3A : vector<128x128xi32>
    %slice3A_38 = vector.extract_strided_slice %get3A_4 {offsets = [0, 6], sizes = [128, 1], strides = [1, 1]} : vector<128x8xi32> to vector<128x1xi32>
    %mul3A_39 = arith.constant 128 : i32
    %mul3A_40 = vector.broadcast %mul3A_39 : i32 to vector<128x1xi32>
    %mul3A_41 = arith.muli %slice3A_38, %mul3A_40 : vector<128x1xi32>
    %add3A_42 = vector.broadcast %mul3A_41 : vector<128x1xi32> to vector<128x128xi32>
    %add3A_43 = arith.addi %add3A_42, %iota3A : vector<128x128xi32>
    %slice3A_44 = vector.extract_strided_slice %get3A_4 {offsets = [0, 7], sizes = [128, 1], strides = [1, 1]} : vector<128x8xi32> to vector<128x1xi32>
    %mul3A_45 = arith.constant 128 : i32
    %mul3A_46 = vector.broadcast %mul3A_45 : i32 to vector<128x1xi32>
    %mul3A_47 = arith.muli %slice3A_44, %mul3A_46 : vector<128x1xi32>
    %add3A_48 = vector.broadcast %mul3A_47 : vector<128x1xi32> to vector<128x128xi32>
    %add3A_49 = arith.addi %add3A_48, %iota3A : vector<128x128xi32>
    %concatenate3A = tpu.concatenate %add3A_7, %add3A_13, %add3A_19, %add3A_25, %add3A_31, %add3A_37, %add3A_43, %add3A_49 in 1 : vector<128x128xi32>, vector<128x128xi32>, vector<128x128xi32>, vector<128x128xi32>, vector<128x128xi32>, vector<128x128xi32>, vector<128x128xi32>, vector<128x128xi32> -> vector<128x1024xi32>
    %lt3A = arith.constant 100000 : i32
    %lt3A_50 = vector.broadcast %lt3A : i32 to vector<128x1024xi32>
    %lt3A_51 = arith.cmpi slt, %concatenate3A, %lt3A_50 : vector<128x1024xi32>
    %jit3A = arith.constant 0xFF800000 : f32
    %broadcast_in_dim3A = vector.broadcast %jit3A : f32 to vector<128x1024xf32>
    %select_n3A = arith.select %lt3A_51, %get3A_1, %broadcast_in_dim3A : vector<128x1024xi1>, vector<128x1024xf32>
    %iota3A_52 = tpu.iota {dimensions = array<i32: 1>} : vector<128x1024xi32>
    %reduce_max3A = arith.constant dense<0xFF800000> : vector<128xf32>
    %reduce_max3A_53 = vector.multi_reduction <maximumf>, %select_n3A, %reduce_max3A [1] : vector<128x1024xf32> to vector<128xf32>
    %broadcast_in_dim3A_54 = vector.shape_cast %reduce_max3A_53 : vector<128xf32> to vector<128x1xf32>
    %ge3A = vector.broadcast %broadcast_in_dim3A_54 : vector<128x1xf32> to vector<128x1024xf32>
    %ge3A_55 = arith.cmpf oge, %select_n3A, %ge3A : vector<128x1024xf32>
    %jit3A_56 = arith.constant 1024 : i32
    %broadcast_in_dim3A_57 = vector.broadcast %jit3A_56 : i32 to vector<128x1024xi32>
    %select_n3A_58 = arith.select %ge3A_55, %iota3A_52, %broadcast_in_dim3A_57 : vector<128x1024xi1>, vector<128x1024xi32>
    %reduce_min3A = arith.constant dense<2147483647> : vector<128xi32>
    %reduce_min3A_59 = vector.multi_reduction <minsi>, %select_n3A_58, %reduce_min3A [1] : vector<128x1024xi32> to vector<128xi32>
    %broadcast_in_dim3A_60 = vector.shape_cast %reduce_min3A_59 : vector<128xi32> to vector<128x1xi32>
    %eq3A = vector.broadcast %broadcast_in_dim3A_60 : vector<128x1xi32> to vector<128x1024xi32>
    %eq3A_61 = arith.cmpi eq, %iota3A_52, %eq3A : vector<128x1024xi32>
    %jit3A_62 = arith.constant 0xFF800000 : f32
    %broadcast_in_dim3A_63 = vector.broadcast %jit3A_62 : f32 to vector<128x1024xf32>
    %select_n3A_64 = arith.select %eq3A_61, %broadcast_in_dim3A_63, %select_n3A : vector<128x1024xi1>, vector<128x1024xf32>
    %reduce_max3A_65 = arith.constant dense<0xFF800000> : vector<128xf32>
    %reduce_max3A_66 = vector.multi_reduction <maximumf>, %select_n3A_64, %reduce_max3A_65 [1] : vector<128x1024xf32> to vector<128xf32>
    %broadcast_in_dim3A_67 = vector.shape_cast %reduce_max3A_66 : vector<128xf32> to vector<128x1xf32>
    %ge3A_68 = vector.broadcast %broadcast_in_dim3A_67 : vector<128x1xf32> to vector<128x1024xf32>
    %ge3A_69 = arith.cmpf oge, %select_n3A_64, %ge3A_68 : vector<128x1024xf32>
    %jit3A_70 = arith.constant 1024 : i32
    %broadcast_in_dim3A_71 = vector.broadcast %jit3A_70 : i32 to vector<128x1024xi32>
    %select_n3A_72 = arith.select %ge3A_69, %iota3A_52, %broadcast_in_dim3A_71 : vector<128x1024xi1>, vector<128x1024xi32>
    %reduce_min3A_73 = arith.constant dense<2147483647> : vector<128xi32>
    %reduce_min3A_74 = vector.multi_reduction <minsi>, %select_n3A_72, %reduce_min3A_73 [1] : vector<128x1024xi32> to vector<128xi32>
    %broadcast_in_dim3A_75 = vector.shape_cast %reduce_min3A_74 : vector<128xi32> to vector<128x1xi32>
    %eq3A_76 = vector.broadcast %broadcast_in_dim3A_75 : vector<128x1xi32> to vector<128x1024xi32>
    %eq3A_77 = arith.cmpi eq, %iota3A_52, %eq3A_76 : vector<128x1024xi32>
    %jit3A_78 = arith.constant 0xFF800000 : f32
    %broadcast_in_dim3A_79 = vector.broadcast %jit3A_78 : f32 to vector<128x1024xf32>
    %select_n3A_80 = arith.select %eq3A_77, %broadcast_in_dim3A_79, %select_n3A_64 : vector<128x1024xi1>, vector<128x1024xf32>
    %reduce_max3A_81 = arith.constant dense<0xFF800000> : vector<128xf32>
    %reduce_max3A_82 = vector.multi_reduction <maximumf>, %select_n3A_80, %reduce_max3A_81 [1] : vector<128x1024xf32> to vector<128xf32>
    %broadcast_in_dim3A_83 = vector.shape_cast %reduce_max3A_82 : vector<128xf32> to vector<128x1xf32>
    %ge3A_84 = vector.broadcast %broadcast_in_dim3A_83 : vector<128x1xf32> to vector<128x1024xf32>
    %ge3A_85 = arith.cmpf oge, %select_n3A_80, %ge3A_84 : vector<128x1024xf32>
    %jit3A_86 = arith.constant 1024 : i32
    %broadcast_in_dim3A_87 = vector.broadcast %jit3A_86 : i32 to vector<128x1024xi32>
    %select_n3A_88 = arith.select %ge3A_85, %iota3A_52, %broadcast_in_dim3A_87 : vector<128x1024xi1>, vector<128x1024xi32>
    %reduce_min3A_89 = arith.constant dense<2147483647> : vector<128xi32>
    %reduce_min3A_90 = vector.multi_reduction <minsi>, %select_n3A_88, %reduce_min3A_89 [1] : vector<128x1024xi32> to vector<128xi32>
    %broadcast_in_dim3A_91 = vector.shape_cast %reduce_min3A_90 : vector<128xi32> to vector<128x1xi32>
    %eq3A_92 = vector.broadcast %broadcast_in_dim3A_91 : vector<128x1xi32> to vector<128x1024xi32>
    %eq3A_93 = arith.cmpi eq, %iota3A_52, %eq3A_92 : vector<128x1024xi32>
    %jit3A_94 = arith.constant 0xFF800000 : f32
    %broadcast_in_dim3A_95 = vector.broadcast %jit3A_94 : f32 to vector<128x1024xf32>
    %select_n3A_96 = arith.select %eq3A_93, %broadcast_in_dim3A_95, %select_n3A_80 : vector<128x1024xi1>, vector<128x1024xf32>
    %reduce_max3A_97 = arith.constant dense<0xFF800000> : vector<128xf32>
    %reduce_max3A_98 = vector.multi_reduction <maximumf>, %select_n3A_96, %reduce_max3A_97 [1] : vector<128x1024xf32> to vector<128xf32>
    %broadcast_in_dim3A_99 = vector.shape_cast %reduce_max3A_98 : vector<128xf32> to vector<128x1xf32>
    %ge3A_100 = vector.broadcast %broadcast_in_dim3A_99 : vector<128x1xf32> to vector<128x1024xf32>
    %ge3A_101 = arith.cmpf oge, %select_n3A_96, %ge3A_100 : vector<128x1024xf32>
    %jit3A_102 = arith.constant 1024 : i32
    %broadcast_in_dim3A_103 = vector.broadcast %jit3A_102 : i32 to vector<128x1024xi32>
    %select_n3A_104 = arith.select %ge3A_101, %iota3A_52, %broadcast_in_dim3A_103 : vector<128x1024xi1>, vector<128x1024xi32>
    %reduce_min3A_105 = arith.constant dense<2147483647> : vector<128xi32>
    %reduce_min3A_106 = vector.multi_reduction <minsi>, %select_n3A_104, %reduce_min3A_105 [1] : vector<128x1024xi32> to vector<128xi32>
    %broadcast_in_dim3A_107 = vector.shape_cast %reduce_min3A_106 : vector<128xi32> to vector<128x1xi32>
    %eq3A_108 = vector.broadcast %broadcast_in_dim3A_107 : vector<128x1xi32> to vector<128x1024xi32>
    %eq3A_109 = arith.cmpi eq, %iota3A_52, %eq3A_108 : vector<128x1024xi32>
    %jit3A_110 = arith.constant 0xFF800000 : f32
    %broadcast_in_dim3A_111 = vector.broadcast %jit3A_110 : f32 to vector<128x1024xf32>
    %select_n3A_112 = arith.select %eq3A_109, %broadcast_in_dim3A_111, %select_n3A_96 : vector<128x1024xi1>, vector<128x1024xf32>
    %reduce_max3A_113 = arith.constant dense<0xFF800000> : vector<128xf32>
    %reduce_max3A_114 = vector.multi_reduction <maximumf>, %select_n3A_112, %reduce_max3A_113 [1] : vector<128x1024xf32> to vector<128xf32>
    %broadcast_in_dim3A_115 = vector.shape_cast %reduce_max3A_114 : vector<128xf32> to vector<128x1xf32>
    %ge3A_116 = vector.broadcast %broadcast_in_dim3A_115 : vector<128x1xf32> to vector<128x1024xf32>
    %ge3A_117 = arith.cmpf oge, %select_n3A_112, %ge3A_116 : vector<128x1024xf32>
    %jit3A_118 = arith.constant 1024 : i32
    %broadcast_in_dim3A_119 = vector.broadcast %jit3A_118 : i32 to vector<128x1024xi32>
    %select_n3A_120 = arith.select %ge3A_117, %iota3A_52, %broadcast_in_dim3A_119 : vector<128x1024xi1>, vector<128x1024xi32>
    %reduce_min3A_121 = arith.constant dense<2147483647> : vector<128xi32>
    %reduce_min3A_122 = vector.multi_reduction <minsi>, %select_n3A_120, %reduce_min3A_121 [1] : vector<128x1024xi32> to vector<128xi32>
    %broadcast_in_dim3A_123 = vector.shape_cast %reduce_min3A_122 : vector<128xi32> to vector<128x1xi32>
    %eq3A_124 = vector.broadcast %broadcast_in_dim3A_123 : vector<128x1xi32> to vector<128x1024xi32>
    %eq3A_125 = arith.cmpi eq, %iota3A_52, %eq3A_124 : vector<128x1024xi32>
    %jit3A_126 = arith.constant 0xFF800000 : f32
    %broadcast_in_dim3A_127 = vector.broadcast %jit3A_126 : f32 to vector<128x1024xf32>
    %select_n3A_128 = arith.select %eq3A_125, %broadcast_in_dim3A_127, %select_n3A_112 : vector<128x1024xi1>, vector<128x1024xf32>
    %reduce_max3A_129 = arith.constant dense<0xFF800000> : vector<128xf32>
    %reduce_max3A_130 = vector.multi_reduction <maximumf>, %select_n3A_128, %reduce_max3A_129 [1] : vector<128x1024xf32> to vector<128xf32>
    %broadcast_in_dim3A_131 = vector.shape_cast %reduce_max3A_130 : vector<128xf32> to vector<128x1xf32>
    %ge3A_132 = vector.broadcast %broadcast_in_dim3A_131 : vector<128x1xf32> to vector<128x1024xf32>
    %ge3A_133 = arith.cmpf oge, %select_n3A_128, %ge3A_132 : vector<128x1024xf32>
    %jit3A_134 = arith.constant 1024 : i32
    %broadcast_in_dim3A_135 = vector.broadcast %jit3A_134 : i32 to vector<128x1024xi32>
    %select_n3A_136 = arith.select %ge3A_133, %iota3A_52, %broadcast_in_dim3A_135 : vector<128x1024xi1>, vector<128x1024xi32>
    %reduce_min3A_137 = arith.constant dense<2147483647> : vector<128xi32>
    %reduce_min3A_138 = vector.multi_reduction <minsi>, %select_n3A_136, %reduce_min3A_137 [1] : vector<128x1024xi32> to vector<128xi32>
    %broadcast_in_dim3A_139 = vector.shape_cast %reduce_min3A_138 : vector<128xi32> to vector<128x1xi32>
    %eq3A_140 = vector.broadcast %broadcast_in_dim3A_139 : vector<128x1xi32> to vector<128x1024xi32>
    %eq3A_141 = arith.cmpi eq, %iota3A_52, %eq3A_140 : vector<128x1024xi32>
    %jit3A_142 = arith.constant 0xFF800000 : f32
    %broadcast_in_dim3A_143 = vector.broadcast %jit3A_142 : f32 to vector<128x1024xf32>
    %select_n3A_144 = arith.select %eq3A_141, %broadcast_in_dim3A_143, %select_n3A_128 : vector<128x1024xi1>, vector<128x1024xf32>
    %reduce_max3A_145 = arith.constant dense<0xFF800000> : vector<128xf32>
    %reduce_max3A_146 = vector.multi_reduction <maximumf>, %select_n3A_144, %reduce_max3A_145 [1] : vector<128x1024xf32> to vector<128xf32>
    %broadcast_in_dim3A_147 = vector.shape_cast %reduce_max3A_146 : vector<128xf32> to vector<128x1xf32>
    %ge3A_148 = vector.broadcast %broadcast_in_dim3A_147 : vector<128x1xf32> to vector<128x1024xf32>
    %ge3A_149 = arith.cmpf oge, %select_n3A_144, %ge3A_148 : vector<128x1024xf32>
    %jit3A_150 = arith.constant 1024 : i32
    %broadcast_in_dim3A_151 = vector.broadcast %jit3A_150 : i32 to vector<128x1024xi32>
    %select_n3A_152 = arith.select %ge3A_149, %iota3A_52, %broadcast_in_dim3A_151 : vector<128x1024xi1>, vector<128x1024xi32>
    %reduce_min3A_153 = arith.constant dense<2147483647> : vector<128xi32>
    %reduce_min3A_154 = vector.multi_reduction <minsi>, %select_n3A_152, %reduce_min3A_153 [1] : vector<128x1024xi32> to vector<128xi32>
    %broadcast_in_dim3A_155 = vector.shape_cast %reduce_min3A_154 : vector<128xi32> to vector<128x1xi32>
    %eq3A_156 = vector.broadcast %broadcast_in_dim3A_155 : vector<128x1xi32> to vector<128x1024xi32>
    %eq3A_157 = arith.cmpi eq, %iota3A_52, %eq3A_156 : vector<128x1024xi32>
    %jit3A_158 = arith.constant 0xFF800000 : f32
    %broadcast_in_dim3A_159 = vector.broadcast %jit3A_158 : f32 to vector<128x1024xf32>
    %select_n3A_160 = arith.select %eq3A_157, %broadcast_in_dim3A_159, %select_n3A_144 : vector<128x1024xi1>, vector<128x1024xf32>
    %reduce_max3A_161 = arith.constant dense<0xFF800000> : vector<128xf32>
    %reduce_max3A_162 = vector.multi_reduction <maximumf>, %select_n3A_160, %reduce_max3A_161 [1] : vector<128x1024xf32> to vector<128xf32>
    %broadcast_in_dim3A_163 = vector.shape_cast %reduce_max3A_162 : vector<128xf32> to vector<128x1xf32>
    %ge3A_164 = vector.broadcast %broadcast_in_dim3A_163 : vector<128x1xf32> to vector<128x1024xf32>
    %ge3A_165 = arith.cmpf oge, %select_n3A_160, %ge3A_164 : vector<128x1024xf32>
    %jit3A_166 = arith.constant 1024 : i32
    %broadcast_in_dim3A_167 = vector.broadcast %jit3A_166 : i32 to vector<128x1024xi32>
    %select_n3A_168 = arith.select %ge3A_165, %iota3A_52, %broadcast_in_dim3A_167 : vector<128x1024xi1>, vector<128x1024xi32>
    %reduce_min3A_169 = arith.constant dense<2147483647> : vector<128xi32>
    %reduce_min3A_170 = vector.multi_reduction <minsi>, %select_n3A_168, %reduce_min3A_169 [1] : vector<128x1024xi32> to vector<128xi32>
    %broadcast_in_dim3A_171 = vector.shape_cast %reduce_min3A_170 : vector<128xi32> to vector<128x1xi32>
    %concatenate3A_172 = tpu.concatenate %broadcast_in_dim3A_60, %broadcast_in_dim3A_75, %broadcast_in_dim3A_91, %broadcast_in_dim3A_107, %broadcast_in_dim3A_123, %broadcast_in_dim3A_139, %broadcast_in_dim3A_155, %broadcast_in_dim3A_171 in 1 : vector<128x1xi32>, vector<128x1xi32>, vector<128x1xi32>, vector<128x1xi32>, vector<128x1xi32>, vector<128x1xi32>, vector<128x1xi32>, vector<128x1xi32> -> vector<128x8xi32>
    %jit3A_173 = arith.constant 128 : i32
    %div3A = vector.broadcast %jit3A_173 : i32 to vector<128x8xi32>
    %div3A_174 = arith.divsi %concatenate3A_172, %div3A : vector<128x8xi32>
    %sign3A = arith.constant 0 : i32
    %sign3A_175 = vector.broadcast %sign3A : i32 to vector<128x8xi32>
    %sign3A_176 = arith.cmpi sgt, %concatenate3A_172, %sign3A_175 : vector<128x8xi32>
    %sign3A_177 = arith.extui %sign3A_176 : vector<128x8xi1> to vector<128x8xi32>
    %sign3A_178 = arith.constant 0 : i32
    %sign3A_179 = vector.broadcast %sign3A_178 : i32 to vector<128x8xi32>
    %sign3A_180 = arith.cmpi slt, %concatenate3A_172, %sign3A_179 : vector<128x8xi32>
    %sign3A_181 = arith.extui %sign3A_180 : vector<128x8xi1> to vector<128x8xi32>
    %sign3A_182 = arith.subi %sign3A_177, %sign3A_181 : vector<128x8xi32>
    %sign3A_183 = arith.constant 0 : i32
    %sign3A_184 = arith.cmpi sgt, %jit3A_173, %sign3A_183 : i32
    %sign3A_185 = arith.extui %sign3A_184 : i1 to i32
    %sign3A_186 = arith.constant 0 : i32
    %sign3A_187 = arith.cmpi slt, %jit3A_173, %sign3A_186 : i32
    %sign3A_188 = arith.extui %sign3A_187 : i1 to i32
    %sign3A_189 = arith.subi %sign3A_185, %sign3A_188 : i32
    %ne3A = vector.broadcast %sign3A_189 : i32 to vector<128x8xi32>
    %ne3A_190 = arith.cmpi ne, %sign3A_182, %ne3A : vector<128x8xi32>
    %rem3A = vector.broadcast %jit3A_173 : i32 to vector<128x8xi32>
    %rem3A_191 = arith.remsi %concatenate3A_172, %rem3A : vector<128x8xi32>
    %ne3A_192 = arith.constant 0 : i32
    %ne3A_193 = vector.broadcast %ne3A_192 : i32 to vector<128x8xi32>
    %ne3A_194 = arith.cmpi ne, %rem3A_191, %ne3A_193 : vector<128x8xi32>
    %and3A = arith.andi %ne3A_190, %ne3A_194 : vector<128x8xi1>
    %sub3A = arith.constant 1 : i32
    %sub3A_195 = vector.broadcast %sub3A : i32 to vector<128x8xi32>
    %sub3A_196 = arith.subi %div3A_174, %sub3A_195 : vector<128x8xi32>
    %select_n3A_197 = arith.select %and3A, %sub3A_196, %div3A_174 : vector<128x8xi1>, vector<128x8xi32>
    %jit3A_198 = arith.constant 128 : i32
    %eq3A_199 = arith.constant 0 : i32
    %eq3A_200 = arith.cmpi eq, %jit3A_198, %eq3A_199 : i32
    %jit3A_201 = arith.constant 1 : i32
    %select_n3A_202 = arith.select %eq3A_200, %jit3A_201, %jit3A_198 : i32
    %rem3A_203 = vector.broadcast %select_n3A_202 : i32 to vector<128x8xi32>
    %rem3A_204 = arith.remsi %concatenate3A_172, %rem3A_203 : vector<128x8xi32>
    %ne3A_205 = arith.constant 0 : i32
    %ne3A_206 = vector.broadcast %ne3A_205 : i32 to vector<128x8xi32>
    %ne3A_207 = arith.cmpi ne, %rem3A_204, %ne3A_206 : vector<128x8xi32>
    %lt3A_208 = arith.constant 0 : i32
    %lt3A_209 = vector.broadcast %lt3A_208 : i32 to vector<128x8xi32>
    %lt3A_210 = arith.cmpi slt, %rem3A_204, %lt3A_209 : vector<128x8xi32>
    %lt3A_211 = arith.constant 0 : i32
    %lt3A_212 = arith.cmpi slt, %select_n3A_202, %lt3A_211 : i32
    %ne3A_213 = vector.broadcast %lt3A_212 : i1 to vector<128x8xi1>
    %ne3A_214 = vector.broadcast %ne3A_213 : vector<128x8xi1> to vector<128x8xi1>
    %ne3A_215 = arith.xori %lt3A_210, %ne3A_214 : vector<128x8xi1>
    %and3A_216 = arith.andi %ne3A_215, %ne3A_207 : vector<128x8xi1>
    %add3A_217 = vector.broadcast %select_n3A_202 : i32 to vector<128x8xi32>
    %add3A_218 = arith.addi %rem3A_204, %add3A_217 : vector<128x8xi32>
    %select_n3A_219 = arith.select %and3A_216, %add3A_218, %rem3A_204 : vector<128x8xi1>, vector<128x8xi32>
    %broadcast_in_dim3A_220 = arith.constant 0 : i32
    %broadcast_in_dim3A_221 = vector.broadcast %broadcast_in_dim3A_220 : i32 to vector<128x8xi32>
    %eq3A_222 = arith.constant 0 : i32
    %eq3A_223 = vector.broadcast %eq3A_222 : i32 to vector<128x8xi32>
    %eq3A_224 = arith.cmpi eq, %select_n3A_197, %eq3A_223 : vector<128x8xi32>
    %slice3A_225 = vector.extract_strided_slice %get3A_4 {offsets = [0, 0], sizes = [128, 1], strides = [1, 1]} : vector<128x8xi32> to vector<128x1xi32>
    %jit3A_226 = arith.constant 0 : i32
    %broadcast_in_dim3A_227 = vector.shape_cast %slice3A_225 : vector<128x1xi32> to vector<128x1xi32>
    %broadcast_in_dim3A_228 = vector.broadcast %broadcast_in_dim3A_227 : vector<128x1xi32> to vector<128x8xi32>
    %broadcast_in_dim3A_229 = vector.broadcast %jit3A_226 : i32 to vector<128x8xi32>
    %select_n3A_230 = arith.select %eq3A_224, %broadcast_in_dim3A_228, %broadcast_in_dim3A_229 : vector<128x8xi1>, vector<128x8xi32>
    %add3A_231 = arith.addi %broadcast_in_dim3A_221, %select_n3A_230 : vector<128x8xi32>
    %eq3A_232 = arith.constant 1 : i32
    %eq3A_233 = vector.broadcast %eq3A_232 : i32 to vector<128x8xi32>
    %eq3A_234 = arith.cmpi eq, %select_n3A_197, %eq3A_233 : vector<128x8xi32>
    %slice3A_235 = vector.extract_strided_slice %get3A_4 {offsets = [0, 1], sizes = [128, 1], strides = [1, 1]} : vector<128x8xi32> to vector<128x1xi32>
    %jit3A_236 = arith.constant 0 : i32
    %broadcast_in_dim3A_237 = vector.shape_cast %slice3A_235 : vector<128x1xi32> to vector<128x1xi32>
    %broadcast_in_dim3A_238 = vector.broadcast %broadcast_in_dim3A_237 : vector<128x1xi32> to vector<128x8xi32>
    %broadcast_in_dim3A_239 = vector.broadcast %jit3A_236 : i32 to vector<128x8xi32>
    %select_n3A_240 = arith.select %eq3A_234, %broadcast_in_dim3A_238, %broadcast_in_dim3A_239 : vector<128x8xi1>, vector<128x8xi32>
    %add3A_241 = arith.addi %add3A_231, %select_n3A_240 : vector<128x8xi32>
    %eq3A_242 = arith.constant 2 : i32
    %eq3A_243 = vector.broadcast %eq3A_242 : i32 to vector<128x8xi32>
    %eq3A_244 = arith.cmpi eq, %select_n3A_197, %eq3A_243 : vector<128x8xi32>
    %slice3A_245 = vector.extract_strided_slice %get3A_4 {offsets = [0, 2], sizes = [128, 1], strides = [1, 1]} : vector<128x8xi32> to vector<128x1xi32>
    %jit3A_246 = arith.constant 0 : i32
    %broadcast_in_dim3A_247 = vector.shape_cast %slice3A_245 : vector<128x1xi32> to vector<128x1xi32>
    %broadcast_in_dim3A_248 = vector.broadcast %broadcast_in_dim3A_247 : vector<128x1xi32> to vector<128x8xi32>
    %broadcast_in_dim3A_249 = vector.broadcast %jit3A_246 : i32 to vector<128x8xi32>
    %select_n3A_250 = arith.select %eq3A_244, %broadcast_in_dim3A_248, %broadcast_in_dim3A_249 : vector<128x8xi1>, vector<128x8xi32>
    %add3A_251 = arith.addi %add3A_241, %select_n3A_250 : vector<128x8xi32>
    %eq3A_252 = arith.constant 3 : i32
    %eq3A_253 = vector.broadcast %eq3A_252 : i32 to vector<128x8xi32>
    %eq3A_254 = arith.cmpi eq, %select_n3A_197, %eq3A_253 : vector<128x8xi32>
    %slice3A_255 = vector.extract_strided_slice %get3A_4 {offsets = [0, 3], sizes = [128, 1], strides = [1, 1]} : vector<128x8xi32> to vector<128x1xi32>
    %jit3A_256 = arith.constant 0 : i32
    %broadcast_in_dim3A_257 = vector.shape_cast %slice3A_255 : vector<128x1xi32> to vector<128x1xi32>
    %broadcast_in_dim3A_258 = vector.broadcast %broadcast_in_dim3A_257 : vector<128x1xi32> to vector<128x8xi32>
    %broadcast_in_dim3A_259 = vector.broadcast %jit3A_256 : i32 to vector<128x8xi32>
    %select_n3A_260 = arith.select %eq3A_254, %broadcast_in_dim3A_258, %broadcast_in_dim3A_259 : vector<128x8xi1>, vector<128x8xi32>
    %add3A_261 = arith.addi %add3A_251, %select_n3A_260 : vector<128x8xi32>
    %eq3A_262 = arith.constant 4 : i32
    %eq3A_263 = vector.broadcast %eq3A_262 : i32 to vector<128x8xi32>
    %eq3A_264 = arith.cmpi eq, %select_n3A_197, %eq3A_263 : vector<128x8xi32>
    %slice3A_265 = vector.extract_strided_slice %get3A_4 {offsets = [0, 4], sizes = [128, 1], strides = [1, 1]} : vector<128x8xi32> to vector<128x1xi32>
    %jit3A_266 = arith.constant 0 : i32
    %broadcast_in_dim3A_267 = vector.shape_cast %slice3A_265 : vector<128x1xi32> to vector<128x1xi32>
    %broadcast_in_dim3A_268 = vector.broadcast %broadcast_in_dim3A_267 : vector<128x1xi32> to vector<128x8xi32>
    %broadcast_in_dim3A_269 = vector.broadcast %jit3A_266 : i32 to vector<128x8xi32>
    %select_n3A_270 = arith.select %eq3A_264, %broadcast_in_dim3A_268, %broadcast_in_dim3A_269 : vector<128x8xi1>, vector<128x8xi32>
    %add3A_271 = arith.addi %add3A_261, %select_n3A_270 : vector<128x8xi32>
    %eq3A_272 = arith.constant 5 : i32
    %eq3A_273 = vector.broadcast %eq3A_272 : i32 to vector<128x8xi32>
    %eq3A_274 = arith.cmpi eq, %select_n3A_197, %eq3A_273 : vector<128x8xi32>
    %slice3A_275 = vector.extract_strided_slice %get3A_4 {offsets = [0, 5], sizes = [128, 1], strides = [1, 1]} : vector<128x8xi32> to vector<128x1xi32>
    %jit3A_276 = arith.constant 0 : i32
    %broadcast_in_dim3A_277 = vector.shape_cast %slice3A_275 : vector<128x1xi32> to vector<128x1xi32>
    %broadcast_in_dim3A_278 = vector.broadcast %broadcast_in_dim3A_277 : vector<128x1xi32> to vector<128x8xi32>
    %broadcast_in_dim3A_279 = vector.broadcast %jit3A_276 : i32 to vector<128x8xi32>
    %select_n3A_280 = arith.select %eq3A_274, %broadcast_in_dim3A_278, %broadcast_in_dim3A_279 : vector<128x8xi1>, vector<128x8xi32>
    %add3A_281 = arith.addi %add3A_271, %select_n3A_280 : vector<128x8xi32>
    %eq3A_282 = arith.constant 6 : i32
    %eq3A_283 = vector.broadcast %eq3A_282 : i32 to vector<128x8xi32>
    %eq3A_284 = arith.cmpi eq, %select_n3A_197, %eq3A_283 : vector<128x8xi32>
    %slice3A_285 = vector.extract_strided_slice %get3A_4 {offsets = [0, 6], sizes = [128, 1], strides = [1, 1]} : vector<128x8xi32> to vector<128x1xi32>
    %jit3A_286 = arith.constant 0 : i32
    %broadcast_in_dim3A_287 = vector.shape_cast %slice3A_285 : vector<128x1xi32> to vector<128x1xi32>
    %broadcast_in_dim3A_288 = vector.broadcast %broadcast_in_dim3A_287 : vector<128x1xi32> to vector<128x8xi32>
    %broadcast_in_dim3A_289 = vector.broadcast %jit3A_286 : i32 to vector<128x8xi32>
    %select_n3A_290 = arith.select %eq3A_284, %broadcast_in_dim3A_288, %broadcast_in_dim3A_289 : vector<128x8xi1>, vector<128x8xi32>
    %add3A_291 = arith.addi %add3A_281, %select_n3A_290 : vector<128x8xi32>
    %eq3A_292 = arith.constant 7 : i32
    %eq3A_293 = vector.broadcast %eq3A_292 : i32 to vector<128x8xi32>
    %eq3A_294 = arith.cmpi eq, %select_n3A_197, %eq3A_293 : vector<128x8xi32>
    %slice3A_295 = vector.extract_strided_slice %get3A_4 {offsets = [0, 7], sizes = [128, 1], strides = [1, 1]} : vector<128x8xi32> to vector<128x1xi32>
    %jit3A_296 = arith.constant 0 : i32
    %broadcast_in_dim3A_297 = vector.shape_cast %slice3A_295 : vector<128x1xi32> to vector<128x1xi32>
    %broadcast_in_dim3A_298 = vector.broadcast %broadcast_in_dim3A_297 : vector<128x1xi32> to vector<128x8xi32>
    %broadcast_in_dim3A_299 = vector.broadcast %jit3A_296 : i32 to vector<128x8xi32>
    %select_n3A_300 = arith.select %eq3A_294, %broadcast_in_dim3A_298, %broadcast_in_dim3A_299 : vector<128x8xi1>, vector<128x8xi32>
    %add3A_301 = arith.addi %add3A_291, %select_n3A_300 : vector<128x8xi32>
    %concatenate3A_302 = tpu.concatenate %broadcast_in_dim3A_54, %broadcast_in_dim3A_67, %broadcast_in_dim3A_83, %broadcast_in_dim3A_99, %broadcast_in_dim3A_115, %broadcast_in_dim3A_131, %broadcast_in_dim3A_147, %broadcast_in_dim3A_163 in 1 : vector<128x1xf32>, vector<128x1xf32>, vector<128x1xf32>, vector<128x1xf32>, vector<128x1xf32>, vector<128x1xf32>, vector<128x1xf32>, vector<128x1xf32> -> vector<128x8xf32>
    %swap3A = arith.constant 0 : index
    %swap3A_303 = arith.constant 0 : index
    %swap3A_304 = vector.load %arg3[%swap3A, %swap3A_303] : memref<128x8xf32, #tpu.memory_space<vmem>>, vector<128x8xf32>
    tpu.vector_store %arg3[%swap3A, %swap3A_303], %concatenate3A_302 {strides = array<i32>} : memref<128x8xf32, #tpu.memory_space<vmem>>, vector<128x8xf32>,
    %mul3A_305 = arith.constant 128 : i32
    %mul3A_306 = vector.broadcast %mul3A_305 : i32 to vector<128x8xi32>
    %mul3A_307 = arith.muli %add3A_301, %mul3A_306 : vector<128x8xi32>
    %add3A_308 = arith.addi %mul3A_307, %select_n3A_219 : vector<128x8xi32>
    %swap3A_309 = arith.constant 0 : index
    %swap3A_310 = arith.constant 0 : index
    %swap3A_311 = vector.load %arg4[%swap3A_309, %swap3A_310] : memref<128x8xi32, #tpu.memory_space<vmem>>, vector<128x8xi32>
    tpu.vector_store %arg4[%swap3A_309, %swap3A_310], %add3A_308 {strides = array<i32>} : memref<128x8xi32, #tpu.memory_space<vmem>>, vector<128x8xi32>,
    return
  }
  func.func @transform_0(%arg0: i32) -> (i32, i32) {
    %c0_i32 = arith.constant 0 : i32
    %c0_i32_0 = arith.constant 0 : i32
    return %arg0, %c0_i32 : i32, i32
  }
  func.func @transform_1(%arg0: i32) -> (i32, i32) {
    %c0_i32 = arith.constant 0 : i32
    %c0_i32_0 = arith.constant 0 : i32
    return %arg0, %c0_i32 : i32, i32
  }
  func.func @transform_2(%arg0: i32) -> (i32, i32) {
    %c0_i32 = arith.constant 0 : i32
    %c0_i32_0 = arith.constant 0 : i32
    return %arg0, %c0_i32 : i32, i32
  }
  func.func @transform_3(%arg0: i32) -> (i32, i32) {
    %c0_i32 = arith.constant 0 : i32
    %c0_i32_0 = arith.constant 0 : i32
    return %arg0, %c0_i32 : i32, i32
  }
}

module attributes {stable_mosaic.version = 14 : i64} {
  func.func @body(%arg0: i32, %arg1: memref<128x64xf32, #tpu.memory_space<vmem>>, %arg2: memref<128x1024xf32, #tpu.memory_space<vmem>>, %arg3: memref<128x2xf32, #tpu.memory_space<vmem>>, %arg4: memref<64x512xf32, #tpu.memory_space<vmem>>, %arg5: memref<1024x512xf32, #tpu.memory_space<vmem>>, %arg6: memref<1x512xf32, #tpu.memory_space<vmem>>, %arg7: memref<1x512xf32, #tpu.memory_space<vmem>>, %arg8: memref<1x512xf32, #tpu.memory_space<vmem>>, %arg9: memref<512x512xf32, #tpu.memory_space<vmem>>, %arg10: memref<1x512xf32, #tpu.memory_space<vmem>>, %arg11: memref<1x512xf32, #tpu.memory_space<vmem>>, %arg12: memref<1x512xf32, #tpu.memory_space<vmem>>, %arg13: memref<512x256xf32, #tpu.memory_space<vmem>>, %arg14: memref<1x256xf32, #tpu.memory_space<vmem>>, %arg15: memref<256x256xf32, #tpu.memory_space<vmem>>, %arg16: memref<2x256xf32, #tpu.memory_space<vmem>>, %arg17: memref<1x256xf32, #tpu.memory_space<vmem>>, %arg18: memref<256x128xf32, #tpu.memory_space<vmem>>, %arg19: memref<1x128xf32, #tpu.memory_space<vmem>>, %arg20: memref<128x1xf32, #tpu.memory_space<vmem>>, %arg21: memref<1x1xf32, #tpu.memory_space<vmem>>, %arg22: memref<64x256xf32, #tpu.memory_space<vmem>>, %arg23: memref<1x256xf32, #tpu.memory_space<vmem>>, %arg24: memref<256x2xf32, #tpu.memory_space<vmem>>, %arg25: memref<1x2xf32, #tpu.memory_space<vmem>>, %arg26: memref<128x1xf32, #tpu.memory_space<vmem>>, %arg27: memref<128x2xf32, #tpu.memory_space<vmem>>, %arg28: memref<128x2xf32, #tpu.memory_space<vmem>>, %arg29: memref<128x256xf32, #tpu.memory_space<vmem>>) attributes {dimension_semantics = [#tpu.dimension_semantics<arbitrary>], iteration_bounds = array<i64: 8>, scalar_prefetch = 0 : i64, scratch_operands = 0 : i64, tpu.core_type = #tpu.core_type<tc>, window_params = [{transform_indices = @transform_0, window_bounds = array<i64: 128, 64>}, {transform_indices = @transform_1, window_bounds = array<i64: 128, 1024>}, {transform_indices = @transform_2, window_bounds = array<i64: 128, 2>}, {pipeline_mode = #tpu.pipeline_mode<synchronous>, transform_indices = @transform_3, window_bounds = array<i64: 64, 512>}, {pipeline_mode = #tpu.pipeline_mode<synchronous>, transform_indices = @transform_4, window_bounds = array<i64: 1024, 512>}, {pipeline_mode = #tpu.pipeline_mode<synchronous>, transform_indices = @transform_5, window_bounds = array<i64: 1, 512>}, {pipeline_mode = #tpu.pipeline_mode<synchronous>, transform_indices = @transform_6, window_bounds = array<i64: 1, 512>}, {pipeline_mode = #tpu.pipeline_mode<synchronous>, transform_indices = @transform_7, window_bounds = array<i64: 1, 512>}, {pipeline_mode = #tpu.pipeline_mode<synchronous>, transform_indices = @transform_8, window_bounds = array<i64: 512, 512>}, {pipeline_mode = #tpu.pipeline_mode<synchronous>, transform_indices = @transform_9, window_bounds = array<i64: 1, 512>}, {pipeline_mode = #tpu.pipeline_mode<synchronous>, transform_indices = @transform_10, window_bounds = array<i64: 1, 512>}, {pipeline_mode = #tpu.pipeline_mode<synchronous>, transform_indices = @transform_11, window_bounds = array<i64: 1, 512>}, {pipeline_mode = #tpu.pipeline_mode<synchronous>, transform_indices = @transform_12, window_bounds = array<i64: 512, 256>}, {pipeline_mode = #tpu.pipeline_mode<synchronous>, transform_indices = @transform_13, window_bounds = array<i64: 1, 256>}, {pipeline_mode = #tpu.pipeline_mode<synchronous>, transform_indices = @transform_14, window_bounds = array<i64: 256, 256>}, {pipeline_mode = #tpu.pipeline_mode<synchronous>, transform_indices = @transform_15, window_bounds = array<i64: 2, 256>}, {pipeline_mode = #tpu.pipeline_mode<synchronous>, transform_indices = @transform_16, window_bounds = array<i64: 1, 256>}, {pipeline_mode = #tpu.pipeline_mode<synchronous>, transform_indices = @transform_17, window_bounds = array<i64: 256, 128>}, {pipeline_mode = #tpu.pipeline_mode<synchronous>, transform_indices = @transform_18, window_bounds = array<i64: 1, 128>}, {pipeline_mode = #tpu.pipeline_mode<synchronous>, transform_indices = @transform_19, window_bounds = array<i64: 128, 1>}, {pipeline_mode = #tpu.pipeline_mode<synchronous>, transform_indices = @transform_20, window_bounds = array<i64: 1, 1>}, {pipeline_mode = #tpu.pipeline_mode<synchronous>, transform_indices = @transform_21, window_bounds = array<i64: 64, 256>}, {pipeline_mode = #tpu.pipeline_mode<synchronous>, transform_indices = @transform_22, window_bounds = array<i64: 1, 256>}, {pipeline_mode = #tpu.pipeline_mode<synchronous>, transform_indices = @transform_23, window_bounds = array<i64: 256, 2>}, {pipeline_mode = #tpu.pipeline_mode<synchronous>, transform_indices = @transform_24, window_bounds = array<i64: 1, 2>}, {transform_indices = @transform_25, window_bounds = array<i64: 128, 1>}, {transform_indices = @transform_26, window_bounds = array<i64: 128, 2>}, {transform_indices = @transform_27, window_bounds = array<i64: 128, 2>}, {transform_indices = @transform_28, window_bounds = array<i64: 128, 256>}]} {
    %get3A = arith.constant 0 : index
    %get3A_0 = arith.constant 0 : index
    %get3A_1 = vector.load %arg1[%get3A, %get3A_0] : memref<128x64xf32, #tpu.memory_space<vmem>>, vector<128x64xf32>
    %get3A_2 = arith.constant 0 : index
    %get3A_3 = arith.constant 0 : index
    %get3A_4 = vector.load %arg4[%get3A_2, %get3A_3] : memref<64x512xf32, #tpu.memory_space<vmem>>, vector<64x512xf32>
    %convert_element_type3A = arith.truncf %get3A_1 : vector<128x64xf32> to vector<128x64xbf16>
    %convert_element_type3A_5 = arith.truncf %get3A_4 : vector<64x512xf32> to vector<64x512xbf16>
    %dot_general3A = arith.constant dense<0.000000e+00> : vector<128x512xf32>
    %dot_general3A_6 = tpu.matmul %convert_element_type3A, %convert_element_type3A_5, %dot_general3A {dimension_numbers = #tpu.dot_dimension_numbers<[1], [0], [0], [1], [0, 0, 1, 1], [], []>, transpose_lhs_hint = false} : vector<128x64xbf16>, vector<64x512xbf16>, vector<128x512xf32> -> vector<128x512xf32>
    %get3A_7 = arith.constant 0 : index
    %get3A_8 = arith.constant 0 : index
    %get3A_9 = vector.load %arg2[%get3A_7, %get3A_8] : memref<128x1024xf32, #tpu.memory_space<vmem>>, vector<128x1024xf32>
    %get3A_10 = arith.constant 0 : index
    %get3A_11 = arith.constant 0 : index
    %get3A_12 = vector.load %arg5[%get3A_10, %get3A_11] : memref<1024x512xf32, #tpu.memory_space<vmem>>, vector<1024x512xf32>
    %convert_element_type3A_13 = arith.truncf %get3A_9 : vector<128x1024xf32> to vector<128x1024xbf16>
    %convert_element_type3A_14 = arith.truncf %get3A_12 : vector<1024x512xf32> to vector<1024x512xbf16>
    %dot_general3A_15 = arith.constant dense<0.000000e+00> : vector<128x512xf32>
    %dot_general3A_16 = tpu.matmul %convert_element_type3A_13, %convert_element_type3A_14, %dot_general3A_15 {dimension_numbers = #tpu.dot_dimension_numbers<[1], [0], [0], [1], [0, 0, 1, 1], [], []>, transpose_lhs_hint = false} : vector<128x1024xbf16>, vector<1024x512xbf16>, vector<128x512xf32> -> vector<128x512xf32>
    %add3A = arith.addf %dot_general3A_6, %dot_general3A_16 : vector<128x512xf32>
    %get3A_17 = arith.constant 0 : index
    %get3A_18 = arith.constant 0 : index
    %get3A_19 = vector.load %arg6[%get3A_17, %get3A_18] : memref<1x512xf32, #tpu.memory_space<vmem>>, vector<1x512xf32>
    %add3A_20 = vector.broadcast %get3A_19 : vector<1x512xf32> to vector<128x512xf32>
    %add3A_21 = arith.addf %add3A, %add3A_20 : vector<128x512xf32>
    %max3A = arith.constant 0.000000e+00 : f32
    %max3A_22 = vector.broadcast %max3A : f32 to vector<128x512xf32>
    %max3A_23 = arith.maximumf %add3A_21, %max3A_22 : vector<128x512xf32>
    %get3A_24 = arith.constant 0 : index
    %get3A_25 = arith.constant 0 : index
    %get3A_26 = vector.load %arg7[%get3A_24, %get3A_25] : memref<1x512xf32, #tpu.memory_space<vmem>>, vector<1x512xf32>
    %get3A_27 = arith.constant 0 : index
    %get3A_28 = arith.constant 0 : index
    %get3A_29 = vector.load %arg8[%get3A_27, %get3A_28] : memref<1x512xf32, #tpu.memory_space<vmem>>, vector<1x512xf32>
    %reduce_sum3A = arith.constant dense<0.000000e+00> : vector<128xf32>
    %reduce_sum3A_30 = vector.multi_reduction <add>, %max3A_23, %reduce_sum3A [1] : vector<128x512xf32> to vector<128xf32>
    %broadcast_in_dim3A = vector.shape_cast %reduce_sum3A_30 : vector<128xf32> to vector<128x1xf32>
    %div3A = arith.constant 5.120000e+02 : f32
    %div3A_31 = vector.broadcast %div3A : f32 to vector<128x1xf32>
    %div3A_32 = arith.divf %broadcast_in_dim3A, %div3A_31 : vector<128x1xf32>
    %sub3A = vector.broadcast %div3A_32 : vector<128x1xf32> to vector<128x512xf32>
    %sub3A_33 = arith.subf %max3A_23, %sub3A : vector<128x512xf32>
    %mul3A = arith.mulf %sub3A_33, %sub3A_33 : vector<128x512xf32>
    %reduce_sum3A_34 = arith.constant dense<0.000000e+00> : vector<128xf32>
    %reduce_sum3A_35 = vector.multi_reduction <add>, %mul3A, %reduce_sum3A_34 [1] : vector<128x512xf32> to vector<128xf32>
    %broadcast_in_dim3A_36 = vector.shape_cast %reduce_sum3A_35 : vector<128xf32> to vector<128x1xf32>
    %div3A_37 = arith.constant 5.120000e+02 : f32
    %div3A_38 = vector.broadcast %div3A_37 : f32 to vector<128x1xf32>
    %div3A_39 = arith.divf %broadcast_in_dim3A_36, %div3A_38 : vector<128x1xf32>
    %add3A_40 = arith.constant 9.99999974E-6 : f32
    %add3A_41 = vector.broadcast %add3A_40 : f32 to vector<128x1xf32>
    %add3A_42 = arith.addf %div3A_39, %add3A_41 : vector<128x1xf32>
    %sqrt3A = math.sqrt %add3A_42 : vector<128x1xf32>
    %div3A_43 = vector.broadcast %sqrt3A : vector<128x1xf32> to vector<128x512xf32>
    %div3A_44 = arith.divf %sub3A_33, %div3A_43 : vector<128x512xf32>
    %mul3A_45 = vector.broadcast %get3A_26 : vector<1x512xf32> to vector<128x512xf32>
    %mul3A_46 = arith.mulf %div3A_44, %mul3A_45 : vector<128x512xf32>
    %add3A_47 = vector.broadcast %get3A_29 : vector<1x512xf32> to vector<128x512xf32>
    %add3A_48 = arith.addf %mul3A_46, %add3A_47 : vector<128x512xf32>
    %get3A_49 = arith.constant 0 : index
    %get3A_50 = arith.constant 0 : index
    %get3A_51 = vector.load %arg9[%get3A_49, %get3A_50] : memref<512x512xf32, #tpu.memory_space<vmem>>, vector<512x512xf32>
    %convert_element_type3A_52 = arith.truncf %add3A_48 : vector<128x512xf32> to vector<128x512xbf16>
    %convert_element_type3A_53 = arith.truncf %get3A_51 : vector<512x512xf32> to vector<512x512xbf16>
    %dot_general3A_54 = arith.constant dense<0.000000e+00> : vector<128x512xf32>
    %dot_general3A_55 = tpu.matmul %convert_element_type3A_52, %convert_element_type3A_53, %dot_general3A_54 {dimension_numbers = #tpu.dot_dimension_numbers<[1], [0], [0], [1], [0, 0, 1, 1], [], []>, transpose_lhs_hint = false} : vector<128x512xbf16>, vector<512x512xbf16>, vector<128x512xf32> -> vector<128x512xf32>
    %get3A_56 = arith.constant 0 : index
    %get3A_57 = arith.constant 0 : index
    %get3A_58 = vector.load %arg10[%get3A_56, %get3A_57] : memref<1x512xf32, #tpu.memory_space<vmem>>, vector<1x512xf32>
    %add3A_59 = vector.broadcast %get3A_58 : vector<1x512xf32> to vector<128x512xf32>
    %add3A_60 = arith.addf %dot_general3A_55, %add3A_59 : vector<128x512xf32>
    %max3A_61 = arith.constant 0.000000e+00 : f32
    %max3A_62 = vector.broadcast %max3A_61 : f32 to vector<128x512xf32>
    %max3A_63 = arith.maximumf %add3A_60, %max3A_62 : vector<128x512xf32>
    %get3A_64 = arith.constant 0 : index
    %get3A_65 = arith.constant 0 : index
    %get3A_66 = vector.load %arg11[%get3A_64, %get3A_65] : memref<1x512xf32, #tpu.memory_space<vmem>>, vector<1x512xf32>
    %get3A_67 = arith.constant 0 : index
    %get3A_68 = arith.constant 0 : index
    %get3A_69 = vector.load %arg12[%get3A_67, %get3A_68] : memref<1x512xf32, #tpu.memory_space<vmem>>, vector<1x512xf32>
    %reduce_sum3A_70 = arith.constant dense<0.000000e+00> : vector<128xf32>
    %reduce_sum3A_71 = vector.multi_reduction <add>, %max3A_63, %reduce_sum3A_70 [1] : vector<128x512xf32> to vector<128xf32>
    %broadcast_in_dim3A_72 = vector.shape_cast %reduce_sum3A_71 : vector<128xf32> to vector<128x1xf32>
    %div3A_73 = arith.constant 5.120000e+02 : f32
    %div3A_74 = vector.broadcast %div3A_73 : f32 to vector<128x1xf32>
    %div3A_75 = arith.divf %broadcast_in_dim3A_72, %div3A_74 : vector<128x1xf32>
    %sub3A_76 = vector.broadcast %div3A_75 : vector<128x1xf32> to vector<128x512xf32>
    %sub3A_77 = arith.subf %max3A_63, %sub3A_76 : vector<128x512xf32>
    %mul3A_78 = arith.mulf %sub3A_77, %sub3A_77 : vector<128x512xf32>
    %reduce_sum3A_79 = arith.constant dense<0.000000e+00> : vector<128xf32>
    %reduce_sum3A_80 = vector.multi_reduction <add>, %mul3A_78, %reduce_sum3A_79 [1] : vector<128x512xf32> to vector<128xf32>
    %broadcast_in_dim3A_81 = vector.shape_cast %reduce_sum3A_80 : vector<128xf32> to vector<128x1xf32>
    %div3A_82 = arith.constant 5.120000e+02 : f32
    %div3A_83 = vector.broadcast %div3A_82 : f32 to vector<128x1xf32>
    %div3A_84 = arith.divf %broadcast_in_dim3A_81, %div3A_83 : vector<128x1xf32>
    %add3A_85 = arith.constant 9.99999974E-6 : f32
    %add3A_86 = vector.broadcast %add3A_85 : f32 to vector<128x1xf32>
    %add3A_87 = arith.addf %div3A_84, %add3A_86 : vector<128x1xf32>
    %sqrt3A_88 = math.sqrt %add3A_87 : vector<128x1xf32>
    %div3A_89 = vector.broadcast %sqrt3A_88 : vector<128x1xf32> to vector<128x512xf32>
    %div3A_90 = arith.divf %sub3A_77, %div3A_89 : vector<128x512xf32>
    %mul3A_91 = vector.broadcast %get3A_66 : vector<1x512xf32> to vector<128x512xf32>
    %mul3A_92 = arith.mulf %div3A_90, %mul3A_91 : vector<128x512xf32>
    %add3A_93 = vector.broadcast %get3A_69 : vector<1x512xf32> to vector<128x512xf32>
    %add3A_94 = arith.addf %mul3A_92, %add3A_93 : vector<128x512xf32>
    %get3A_95 = arith.constant 0 : index
    %get3A_96 = arith.constant 0 : index
    %get3A_97 = vector.load %arg13[%get3A_95, %get3A_96] : memref<512x256xf32, #tpu.memory_space<vmem>>, vector<512x256xf32>
    %convert_element_type3A_98 = arith.truncf %add3A_94 : vector<128x512xf32> to vector<128x512xbf16>
    %convert_element_type3A_99 = arith.truncf %get3A_97 : vector<512x256xf32> to vector<512x256xbf16>
    %dot_general3A_100 = arith.constant dense<0.000000e+00> : vector<128x256xf32>
    %dot_general3A_101 = tpu.matmul %convert_element_type3A_98, %convert_element_type3A_99, %dot_general3A_100 {dimension_numbers = #tpu.dot_dimension_numbers<[1], [0], [0], [1], [0, 0, 1, 1], [], []>, transpose_lhs_hint = false} : vector<128x512xbf16>, vector<512x256xbf16>, vector<128x256xf32> -> vector<128x256xf32>
    %get3A_102 = arith.constant 0 : index
    %get3A_103 = arith.constant 0 : index
    %get3A_104 = vector.load %arg14[%get3A_102, %get3A_103] : memref<1x256xf32, #tpu.memory_space<vmem>>, vector<1x256xf32>
    %add3A_105 = vector.broadcast %get3A_104 : vector<1x256xf32> to vector<128x256xf32>
    %add3A_106 = arith.addf %dot_general3A_101, %add3A_105 : vector<128x256xf32>
    %swap3A = arith.constant 0 : index
    %swap3A_107 = arith.constant 0 : index
    %swap3A_108 = vector.load %arg29[%swap3A, %swap3A_107] : memref<128x256xf32, #tpu.memory_space<vmem>>, vector<128x256xf32>
    tpu.vector_store %arg29[%swap3A, %swap3A_107], %add3A_106 {strides = array<i32>} : memref<128x256xf32, #tpu.memory_space<vmem>>, vector<128x256xf32>,
    %get3A_109 = arith.constant 0 : index
    %get3A_110 = arith.constant 0 : index
    %get3A_111 = vector.load %arg15[%get3A_109, %get3A_110] : memref<256x256xf32, #tpu.memory_space<vmem>>, vector<256x256xf32>
    %convert_element_type3A_112 = arith.truncf %add3A_106 : vector<128x256xf32> to vector<128x256xbf16>
    %convert_element_type3A_113 = arith.truncf %get3A_111 : vector<256x256xf32> to vector<256x256xbf16>
    %dot_general3A_114 = arith.constant dense<0.000000e+00> : vector<128x256xf32>
    %dot_general3A_115 = tpu.matmul %convert_element_type3A_112, %convert_element_type3A_113, %dot_general3A_114 {dimension_numbers = #tpu.dot_dimension_numbers<[1], [0], [0], [1], [0, 0, 1, 1], [], []>, transpose_lhs_hint = false} : vector<128x256xbf16>, vector<256x256xbf16>, vector<128x256xf32> -> vector<128x256xf32>
    %get3A_116 = arith.constant 0 : index
    %get3A_117 = arith.constant 0 : index
    %get3A_118 = vector.load %arg17[%get3A_116, %get3A_117] : memref<1x256xf32, #tpu.memory_space<vmem>>, vector<1x256xf32>
    %add3A_119 = vector.broadcast %get3A_118 : vector<1x256xf32> to vector<128x256xf32>
    %add3A_120 = arith.addf %dot_general3A_115, %add3A_119 : vector<128x256xf32>
    %get3A_121 = arith.constant 0 : index
    %get3A_122 = arith.constant 0 : index
    %get3A_123 = vector.load %arg16[%get3A_121, %get3A_122] : memref<2x256xf32, #tpu.memory_space<vmem>>, vector<2x256xf32>
    %slice3A = vector.extract_strided_slice %get3A_123 {offsets = [0, 0], sizes = [1, 256], strides = [1, 1]} : vector<2x256xf32> to vector<1x256xf32>
    %add3A_124 = vector.broadcast %slice3A : vector<1x256xf32> to vector<128x256xf32>
    %add3A_125 = arith.addf %add3A_120, %add3A_124 : vector<128x256xf32>
    %max3A_126 = arith.constant 0.000000e+00 : f32
    %max3A_127 = vector.broadcast %max3A_126 : f32 to vector<128x256xf32>
    %max3A_128 = arith.maximumf %add3A_125, %max3A_127 : vector<128x256xf32>
    %get3A_129 = arith.constant 0 : index
    %get3A_130 = arith.constant 0 : index
    %get3A_131 = vector.load %arg18[%get3A_129, %get3A_130] : memref<256x128xf32, #tpu.memory_space<vmem>>, vector<256x128xf32>
    %convert_element_type3A_132 = arith.truncf %max3A_128 : vector<128x256xf32> to vector<128x256xbf16>
    %convert_element_type3A_133 = arith.truncf %get3A_131 : vector<256x128xf32> to vector<256x128xbf16>
    %dot_general3A_134 = arith.constant dense<0.000000e+00> : vector<128x128xf32>
    %dot_general3A_135 = tpu.matmul %convert_element_type3A_132, %convert_element_type3A_133, %dot_general3A_134 {dimension_numbers = #tpu.dot_dimension_numbers<[1], [0], [0], [1], [0, 0, 1, 1], [], []>, transpose_lhs_hint = false} : vector<128x256xbf16>, vector<256x128xbf16>, vector<128x128xf32> -> vector<128x128xf32>
    %get3A_136 = arith.constant 0 : index
    %get3A_137 = arith.constant 0 : index
    %get3A_138 = vector.load %arg19[%get3A_136, %get3A_137] : memref<1x128xf32, #tpu.memory_space<vmem>>, vector<1x128xf32>
    %add3A_139 = vector.broadcast %get3A_138 : vector<1x128xf32> to vector<128x128xf32>
    %add3A_140 = arith.addf %dot_general3A_135, %add3A_139 : vector<128x128xf32>
    %max3A_141 = arith.constant 0.000000e+00 : f32
    %max3A_142 = vector.broadcast %max3A_141 : f32 to vector<128x128xf32>
    %max3A_143 = arith.maximumf %add3A_140, %max3A_142 : vector<128x128xf32>
    %get3A_144 = arith.constant 0 : index
    %get3A_145 = arith.constant 0 : index
    %get3A_146 = vector.load %arg20[%get3A_144, %get3A_145] : memref<128x1xf32, #tpu.memory_space<vmem>>, vector<128x1xf32>
    %convert_element_type3A_147 = arith.truncf %max3A_143 : vector<128x128xf32> to vector<128x128xbf16>
    %convert_element_type3A_148 = arith.truncf %get3A_146 : vector<128x1xf32> to vector<128x1xbf16>
    %dot_general3A_149 = arith.constant dense<0.000000e+00> : vector<128x1xf32>
    %dot_general3A_150 = tpu.matmul %convert_element_type3A_147, %convert_element_type3A_148, %dot_general3A_149 {dimension_numbers = #tpu.dot_dimension_numbers<[1], [0], [0], [1], [0, 0, 1, 1], [], []>, transpose_lhs_hint = false} : vector<128x128xbf16>, vector<128x1xbf16>, vector<128x1xf32> -> vector<128x1xf32>
    %get3A_151 = arith.constant 0 : index
    %get3A_152 = arith.constant 0 : index
    %get3A_153 = vector.load %arg21[%get3A_151, %get3A_152] : memref<1x1xf32, #tpu.memory_space<vmem>>, vector<1x1xf32>
    %add3A_154 = vector.broadcast %get3A_153 : vector<1x1xf32> to vector<128x1xf32>
    %add3A_155 = arith.addf %dot_general3A_150, %add3A_154 : vector<128x1xf32>
    %slice3A_156 = vector.extract_strided_slice %get3A_123 {offsets = [1, 0], sizes = [1, 256], strides = [1, 1]} : vector<2x256xf32> to vector<1x256xf32>
    %add3A_157 = vector.broadcast %slice3A_156 : vector<1x256xf32> to vector<128x256xf32>
    %add3A_158 = arith.addf %add3A_120, %add3A_157 : vector<128x256xf32>
    %max3A_159 = arith.constant 0.000000e+00 : f32
    %max3A_160 = vector.broadcast %max3A_159 : f32 to vector<128x256xf32>
    %max3A_161 = arith.maximumf %add3A_158, %max3A_160 : vector<128x256xf32>
    %get3A_162 = arith.constant 0 : index
    %get3A_163 = arith.constant 0 : index
    %get3A_164 = vector.load %arg18[%get3A_162, %get3A_163] : memref<256x128xf32, #tpu.memory_space<vmem>>, vector<256x128xf32>
    %convert_element_type3A_165 = arith.truncf %max3A_161 : vector<128x256xf32> to vector<128x256xbf16>
    %convert_element_type3A_166 = arith.truncf %get3A_164 : vector<256x128xf32> to vector<256x128xbf16>
    %dot_general3A_167 = arith.constant dense<0.000000e+00> : vector<128x128xf32>
    %dot_general3A_168 = tpu.matmul %convert_element_type3A_165, %convert_element_type3A_166, %dot_general3A_167 {dimension_numbers = #tpu.dot_dimension_numbers<[1], [0], [0], [1], [0, 0, 1, 1], [], []>, transpose_lhs_hint = false} : vector<128x256xbf16>, vector<256x128xbf16>, vector<128x128xf32> -> vector<128x128xf32>
    %get3A_169 = arith.constant 0 : index
    %get3A_170 = arith.constant 0 : index
    %get3A_171 = vector.load %arg19[%get3A_169, %get3A_170] : memref<1x128xf32, #tpu.memory_space<vmem>>, vector<1x128xf32>
    %add3A_172 = vector.broadcast %get3A_171 : vector<1x128xf32> to vector<128x128xf32>
    %add3A_173 = arith.addf %dot_general3A_168, %add3A_172 : vector<128x128xf32>
    %max3A_174 = arith.constant 0.000000e+00 : f32
    %max3A_175 = vector.broadcast %max3A_174 : f32 to vector<128x128xf32>
    %max3A_176 = arith.maximumf %add3A_173, %max3A_175 : vector<128x128xf32>
    %get3A_177 = arith.constant 0 : index
    %get3A_178 = arith.constant 0 : index
    %get3A_179 = vector.load %arg20[%get3A_177, %get3A_178] : memref<128x1xf32, #tpu.memory_space<vmem>>, vector<128x1xf32>
    %convert_element_type3A_180 = arith.truncf %max3A_176 : vector<128x128xf32> to vector<128x128xbf16>
    %convert_element_type3A_181 = arith.truncf %get3A_179 : vector<128x1xf32> to vector<128x1xbf16>
    %dot_general3A_182 = arith.constant dense<0.000000e+00> : vector<128x1xf32>
    %dot_general3A_183 = tpu.matmul %convert_element_type3A_180, %convert_element_type3A_181, %dot_general3A_182 {dimension_numbers = #tpu.dot_dimension_numbers<[1], [0], [0], [1], [0, 0, 1, 1], [], []>, transpose_lhs_hint = false} : vector<128x128xbf16>, vector<128x1xbf16>, vector<128x1xf32> -> vector<128x1xf32>
    %get3A_184 = arith.constant 0 : index
    %get3A_185 = arith.constant 0 : index
    %get3A_186 = vector.load %arg21[%get3A_184, %get3A_185] : memref<1x1xf32, #tpu.memory_space<vmem>>, vector<1x1xf32>
    %add3A_187 = vector.broadcast %get3A_186 : vector<1x1xf32> to vector<128x1xf32>
    %add3A_188 = arith.addf %dot_general3A_183, %add3A_187 : vector<128x1xf32>
    %concatenate3A = tpu.concatenate %add3A_155, %add3A_188 in 1 : vector<128x1xf32>, vector<128x1xf32> -> vector<128x2xf32>
    %swap3A_189 = arith.constant 0 : index
    %swap3A_190 = arith.constant 0 : index
    %swap3A_191 = vector.load %arg27[%swap3A_189, %swap3A_190] : memref<128x2xf32, #tpu.memory_space<vmem>>, vector<128x2xf32>
    tpu.vector_store %arg27[%swap3A_189, %swap3A_190], %concatenate3A {strides = array<i32>} : memref<128x2xf32, #tpu.memory_space<vmem>>, vector<128x2xf32>,
    %get3A_192 = arith.constant 0 : index
    %get3A_193 = arith.constant 0 : index
    %get3A_194 = vector.load %arg3[%get3A_192, %get3A_193] : memref<128x2xf32, #tpu.memory_space<vmem>>, vector<128x2xf32>
    %mul3A_195 = arith.mulf %get3A_194, %concatenate3A : vector<128x2xf32>
    %reduce_sum3A_196 = arith.constant dense<0.000000e+00> : vector<128xf32>
    %reduce_sum3A_197 = vector.multi_reduction <add>, %mul3A_195, %reduce_sum3A_196 [1] : vector<128x2xf32> to vector<128xf32>
    %broadcast_in_dim3A_198 = vector.shape_cast %reduce_sum3A_197 : vector<128xf32> to vector<128x1xf32>
    %swap3A_199 = arith.constant 0 : index
    %swap3A_200 = arith.constant 0 : index
    %swap3A_201 = vector.load %arg26[%swap3A_199, %swap3A_200] : memref<128x1xf32, #tpu.memory_space<vmem>>, vector<128x1xf32>
    tpu.vector_store %arg26[%swap3A_199, %swap3A_200], %broadcast_in_dim3A_198 {strides = array<i32>} : memref<128x1xf32, #tpu.memory_space<vmem>>, vector<128x1xf32>,
    %get3A_202 = arith.constant 0 : index
    %get3A_203 = arith.constant 0 : index
    %get3A_204 = vector.load %arg22[%get3A_202, %get3A_203] : memref<64x256xf32, #tpu.memory_space<vmem>>, vector<64x256xf32>
    %convert_element_type3A_205 = arith.truncf %get3A_1 : vector<128x64xf32> to vector<128x64xbf16>
    %convert_element_type3A_206 = arith.truncf %get3A_204 : vector<64x256xf32> to vector<64x256xbf16>
    %dot_general3A_207 = arith.constant dense<0.000000e+00> : vector<128x256xf32>
    %dot_general3A_208 = tpu.matmul %convert_element_type3A_205, %convert_element_type3A_206, %dot_general3A_207 {dimension_numbers = #tpu.dot_dimension_numbers<[1], [0], [0], [1], [0, 0, 1, 1], [], []>, transpose_lhs_hint = false} : vector<128x64xbf16>, vector<64x256xbf16>, vector<128x256xf32> -> vector<128x256xf32>
    %get3A_209 = arith.constant 0 : index
    %get3A_210 = arith.constant 0 : index
    %get3A_211 = vector.load %arg23[%get3A_209, %get3A_210] : memref<1x256xf32, #tpu.memory_space<vmem>>, vector<1x256xf32>
    %add3A_212 = vector.broadcast %get3A_211 : vector<1x256xf32> to vector<128x256xf32>
    %add3A_213 = arith.addf %dot_general3A_208, %add3A_212 : vector<128x256xf32>
    %max3A_214 = arith.constant 0.000000e+00 : f32
    %max3A_215 = vector.broadcast %max3A_214 : f32 to vector<128x256xf32>
    %max3A_216 = arith.maximumf %add3A_213, %max3A_215 : vector<128x256xf32>
    %get3A_217 = arith.constant 0 : index
    %get3A_218 = arith.constant 0 : index
    %get3A_219 = vector.load %arg24[%get3A_217, %get3A_218] : memref<256x2xf32, #tpu.memory_space<vmem>>, vector<256x2xf32>
    %convert_element_type3A_220 = arith.truncf %max3A_216 : vector<128x256xf32> to vector<128x256xbf16>
    %convert_element_type3A_221 = arith.truncf %get3A_219 : vector<256x2xf32> to vector<256x2xbf16>
    %dot_general3A_222 = arith.constant dense<0.000000e+00> : vector<128x2xf32>
    %dot_general3A_223 = tpu.matmul %convert_element_type3A_220, %convert_element_type3A_221, %dot_general3A_222 {dimension_numbers = #tpu.dot_dimension_numbers<[1], [0], [0], [1], [0, 0, 1, 1], [], []>, transpose_lhs_hint = false} : vector<128x256xbf16>, vector<256x2xbf16>, vector<128x2xf32> -> vector<128x2xf32>
    %get3A_224 = arith.constant 0 : index
    %get3A_225 = arith.constant 0 : index
    %get3A_226 = vector.load %arg25[%get3A_224, %get3A_225] : memref<1x2xf32, #tpu.memory_space<vmem>>, vector<1x2xf32>
    %add3A_227 = vector.broadcast %get3A_226 : vector<1x2xf32> to vector<128x2xf32>
    %add3A_228 = arith.addf %dot_general3A_223, %add3A_227 : vector<128x2xf32>
    %reduce_max3A = arith.constant dense<0xFF800000> : vector<128xf32>
    %reduce_max3A_229 = vector.multi_reduction <maximumf>, %add3A_228, %reduce_max3A [1] : vector<128x2xf32> to vector<128xf32>
    %broadcast_in_dim3A_230 = vector.shape_cast %reduce_max3A_229 : vector<128xf32> to vector<128x1xf32>
    %sub3A_231 = vector.broadcast %broadcast_in_dim3A_230 : vector<128x1xf32> to vector<128x2xf32>
    %sub3A_232 = arith.subf %add3A_228, %sub3A_231 : vector<128x2xf32>
    %exp3A = math.exp %sub3A_232 : vector<128x2xf32>
    %reduce_sum3A_233 = arith.constant dense<0.000000e+00> : vector<128xf32>
    %reduce_sum3A_234 = vector.multi_reduction <add>, %exp3A, %reduce_sum3A_233 [1] : vector<128x2xf32> to vector<128xf32>
    %broadcast_in_dim3A_235 = vector.shape_cast %reduce_sum3A_234 : vector<128xf32> to vector<128x1xf32>
    %div3A_236 = vector.broadcast %broadcast_in_dim3A_235 : vector<128x1xf32> to vector<128x2xf32>
    %div3A_237 = arith.divf %exp3A, %div3A_236 : vector<128x2xf32>
    %swap3A_238 = arith.constant 0 : index
    %swap3A_239 = arith.constant 0 : index
    %swap3A_240 = vector.load %arg28[%swap3A_238, %swap3A_239] : memref<128x2xf32, #tpu.memory_space<vmem>>, vector<128x2xf32>
    tpu.vector_store %arg28[%swap3A_238, %swap3A_239], %div3A_237 {strides = array<i32>} : memref<128x2xf32, #tpu.memory_space<vmem>>, vector<128x2xf32>,
    return
  }
  func.func @transform_0(%arg0: i32) -> (i32, i32) {
    %c0_i32 = arith.constant 0 : i32
    %c0_i32_0 = arith.constant 0 : i32
    return %arg0, %c0_i32 : i32, i32
  }
  func.func @transform_1(%arg0: i32) -> (i32, i32) {
    %c0_i32 = arith.constant 0 : i32
    %c0_i32_0 = arith.constant 0 : i32
    return %arg0, %c0_i32 : i32, i32
  }
  func.func @transform_2(%arg0: i32) -> (i32, i32) {
    %c0_i32 = arith.constant 0 : i32
    %c0_i32_0 = arith.constant 0 : i32
    return %arg0, %c0_i32 : i32, i32
  }
  func.func @transform_3(%arg0: i32) -> (i32, i32) {
    %c0_i32 = arith.constant 0 : i32
    %c0_i32_0 = arith.constant 0 : i32
    %c0_i32_1 = arith.constant 0 : i32
    return %c0_i32, %c0_i32_0 : i32, i32
  }
  func.func @transform_4(%arg0: i32) -> (i32, i32) {
    %c0_i32 = arith.constant 0 : i32
    %c0_i32_0 = arith.constant 0 : i32
    %c0_i32_1 = arith.constant 0 : i32
    return %c0_i32, %c0_i32_0 : i32, i32
  }
  func.func @transform_5(%arg0: i32) -> (i32, i32) {
    %c0_i32 = arith.constant 0 : i32
    %c0_i32_0 = arith.constant 0 : i32
    %c0_i32_1 = arith.constant 0 : i32
    return %c0_i32, %c0_i32_0 : i32, i32
  }
  func.func @transform_6(%arg0: i32) -> (i32, i32) {
    %c0_i32 = arith.constant 0 : i32
    %c0_i32_0 = arith.constant 0 : i32
    %c0_i32_1 = arith.constant 0 : i32
    return %c0_i32, %c0_i32_0 : i32, i32
  }
  func.func @transform_7(%arg0: i32) -> (i32, i32) {
    %c0_i32 = arith.constant 0 : i32
    %c0_i32_0 = arith.constant 0 : i32
    %c0_i32_1 = arith.constant 0 : i32
    return %c0_i32, %c0_i32_0 : i32, i32
  }
  func.func @transform_8(%arg0: i32) -> (i32, i32) {
    %c0_i32 = arith.constant 0 : i32
    %c0_i32_0 = arith.constant 0 : i32
    %c0_i32_1 = arith.constant 0 : i32
    return %c0_i32, %c0_i32_0 : i32, i32
  }
  func.func @transform_9(%arg0: i32) -> (i32, i32) {
    %c0_i32 = arith.constant 0 : i32
    %c0_i32_0 = arith.constant 0 : i32
    %c0_i32_1 = arith.constant 0 : i32
    return %c0_i32, %c0_i32_0 : i32, i32
  }
  func.func @transform_10(%arg0: i32) -> (i32, i32) {
    %c0_i32 = arith.constant 0 : i32
    %c0_i32_0 = arith.constant 0 : i32
    %c0_i32_1 = arith.constant 0 : i32
    return %c0_i32, %c0_i32_0 : i32, i32
  }
  func.func @transform_11(%arg0: i32) -> (i32, i32) {
    %c0_i32 = arith.constant 0 : i32
    %c0_i32_0 = arith.constant 0 : i32
    %c0_i32_1 = arith.constant 0 : i32
    return %c0_i32, %c0_i32_0 : i32, i32
  }
  func.func @transform_12(%arg0: i32) -> (i32, i32) {
    %c0_i32 = arith.constant 0 : i32
    %c0_i32_0 = arith.constant 0 : i32
    %c0_i32_1 = arith.constant 0 : i32
    return %c0_i32, %c0_i32_0 : i32, i32
  }
  func.func @transform_13(%arg0: i32) -> (i32, i32) {
    %c0_i32 = arith.constant 0 : i32
    %c0_i32_0 = arith.constant 0 : i32
    %c0_i32_1 = arith.constant 0 : i32
    return %c0_i32, %c0_i32_0 : i32, i32
  }
  func.func @transform_14(%arg0: i32) -> (i32, i32) {
    %c0_i32 = arith.constant 0 : i32
    %c0_i32_0 = arith.constant 0 : i32
    %c0_i32_1 = arith.constant 0 : i32
    return %c0_i32, %c0_i32_0 : i32, i32
  }
  func.func @transform_15(%arg0: i32) -> (i32, i32) {
    %c0_i32 = arith.constant 0 : i32
    %c0_i32_0 = arith.constant 0 : i32
    %c0_i32_1 = arith.constant 0 : i32
    return %c0_i32, %c0_i32_0 : i32, i32
  }
  func.func @transform_16(%arg0: i32) -> (i32, i32) {
    %c0_i32 = arith.constant 0 : i32
    %c0_i32_0 = arith.constant 0 : i32
    %c0_i32_1 = arith.constant 0 : i32
    return %c0_i32, %c0_i32_0 : i32, i32
  }
  func.func @transform_17(%arg0: i32) -> (i32, i32) {
    %c0_i32 = arith.constant 0 : i32
    %c0_i32_0 = arith.constant 0 : i32
    %c0_i32_1 = arith.constant 0 : i32
    return %c0_i32, %c0_i32_0 : i32, i32
  }
  func.func @transform_18(%arg0: i32) -> (i32, i32) {
    %c0_i32 = arith.constant 0 : i32
    %c0_i32_0 = arith.constant 0 : i32
    %c0_i32_1 = arith.constant 0 : i32
    return %c0_i32, %c0_i32_0 : i32, i32
  }
  func.func @transform_19(%arg0: i32) -> (i32, i32) {
    %c0_i32 = arith.constant 0 : i32
    %c0_i32_0 = arith.constant 0 : i32
    %c0_i32_1 = arith.constant 0 : i32
    return %c0_i32, %c0_i32_0 : i32, i32
  }
  func.func @transform_20(%arg0: i32) -> (i32, i32) {
    %c0_i32 = arith.constant 0 : i32
    %c0_i32_0 = arith.constant 0 : i32
    %c0_i32_1 = arith.constant 0 : i32
    return %c0_i32, %c0_i32_0 : i32, i32
  }
  func.func @transform_21(%arg0: i32) -> (i32, i32) {
    %c0_i32 = arith.constant 0 : i32
    %c0_i32_0 = arith.constant 0 : i32
    %c0_i32_1 = arith.constant 0 : i32
    return %c0_i32, %c0_i32_0 : i32, i32
  }
  func.func @transform_22(%arg0: i32) -> (i32, i32) {
    %c0_i32 = arith.constant 0 : i32
    %c0_i32_0 = arith.constant 0 : i32
    %c0_i32_1 = arith.constant 0 : i32
    return %c0_i32, %c0_i32_0 : i32, i32
  }
  func.func @transform_23(%arg0: i32) -> (i32, i32) {
    %c0_i32 = arith.constant 0 : i32
    %c0_i32_0 = arith.constant 0 : i32
    %c0_i32_1 = arith.constant 0 : i32
    return %c0_i32, %c0_i32_0 : i32, i32
  }
  func.func @transform_24(%arg0: i32) -> (i32, i32) {
    %c0_i32 = arith.constant 0 : i32
    %c0_i32_0 = arith.constant 0 : i32
    %c0_i32_1 = arith.constant 0 : i32
    return %c0_i32, %c0_i32_0 : i32, i32
  }
  func.func @transform_25(%arg0: i32) -> (i32, i32) {
    %c0_i32 = arith.constant 0 : i32
    %c0_i32_0 = arith.constant 0 : i32
    return %arg0, %c0_i32 : i32, i32
  }
  func.func @transform_26(%arg0: i32) -> (i32, i32) {
    %c0_i32 = arith.constant 0 : i32
    %c0_i32_0 = arith.constant 0 : i32
    return %arg0, %c0_i32 : i32, i32
  }
  func.func @transform_27(%arg0: i32) -> (i32, i32) {
    %c0_i32 = arith.constant 0 : i32
    %c0_i32_0 = arith.constant 0 : i32
    return %arg0, %c0_i32 : i32, i32
  }
  func.func @transform_28(%arg0: i32) -> (i32, i32) {
    %c0_i32 = arith.constant 0 : i32
    %c0_i32_0 = arith.constant 0 : i32
    return %arg0, %c0_i32 : i32, i32
  }
}

</mosaic_0001>

<sc_bundles>
// kernel: kernel.12.cloned.1.call-start
scs
__scs_entry_jumppad:
0x0: {  	(pc) =	sbr.rel $0x88, $3  }
0x1: {  	(tag) =	ssettag $0x0;
	lr =	simm.s32 $0x1  }
0x2: {  	[smem:$0x3F87] =	sst lr;
	_ =	strace $0xD0000000  }
0x3: {  	_ = 	snop  }
0x4: {  	_ = 	snop  }
0x5: {  	_ = 	snop  }
0x6: {  	_ = 	snop  }
0x7: {  	_ = 	snop  }
__scs_overlays_trampoline_lowered:
0x8: {  	[smem:$0x3F96] =	sst s0  }
0x9: {  	[smem:$0x3F97] =	sst s1  }
0xa: {  	[smem:$0x3F98] =	sst s2  }
0xb: {  	[smem:$0x3F99] =	sst s3  }
0xc: {  	[smem:$0x3F9A] =	sst s4  }
0xd: {  	[smem:$0x3F9B] =	sst s5  }
0xe: {  	[smem:$0x3F9C] =	sst s6  }
0xf: {  	[smem:$0x3F9D] =	sst s7  }
0x10: {  	[smem:$0x3F9E] =	sst s8  }
0x11: {  	[smem:$0x3F9F] =	sst s9;
	s0 =	simm.s32 @!p0 $0x0  }
0x12: {  	s1 =	sld [smem:$0x3F85];
	s0 =	simm.s32 @p0 $0x1  }
0x13: {  	[smem:$0x3FA0] =	sst s0;
	s0 =	simm.s32 @!p1 $0x0  }
0x14: {  	s2 =	sld [smem:$0x3F84];
	s0 =	simm.s32 @p1 $0x1  }
0x15: {  	[smem:$0x3FA1] =	sst s0;
	s0 =	simm.s32 @!p2 $0x0  }
0x16: {  	s3 =	sld [smem:$0x3FDB];
	s0 =	simm.s32 @p2 $0x1  }
0x17: {  	s4 =	simm.s32 $0x1BF5;
	[smem:$0x3FA3] =	sst s0  }
0x18: {  	s0 =	sld [smem:$0x3F86];
	_ =	swait.ge [sflag:s4], $0x0  }
0x19: {  	s7 =	sld [smem:$0x3F87]  }
0x1a: {  	s8 =	sadd.s32 $0xFFFFE003, lr  }
0x1b: {  	s9 =	sadd.s32 $0xFFFFFEF7, lr;
	s5 =	simm.s32 $0xFFFFFFFF;
	p2 =	slt.u32 s8, $0xFFFFF086  }
0x1c: {  	p1 =	slt.u32 s9, $0xF7A;
	s5 =	simm.s32 @!p2 $0x0  }
0x1d: {  	s5 =	simm.s32 @p1 $0x1;
	p0 =	seq.s32 s7, s2  }
0x1e: {  	s7 =	smul.u32 @!p0 $0xF7A, s2;
	p2 =	seq.s32 @!p0 s5, $0x0  }
0x1f: {  	s9 =	smul.u32 $0xF7A, s1;
	s8 =	simm.s32 @!p0 $0x1BF5;
	p2 =	por !p2, p0  }
0x20: {  	[sflag:s8] =	ssyncset.s32 @!p0 $0xFFFFF086;
	s6 =	sadd.s32 @!p0 s3, s7;
	s7 =	simm.s32 @!p0 $0x108  }
0x21: {  	s3 =	sadd.s32 s3, s9;
	s6 =	sadd.s32 @!p0 $0x88, s6;
	s7 =	simm.s32 @p2 $0x1082  }
0x22: {  	[simem:s7], [sflag:s8] =	dma.local @!p0 [hbm:s6], $0xF7A  }
0x23: {  	s9 =	sor.u32 $0xD0000000, s2;
	s6 =	simm.s32 $0x108;
	_ =	swait.ge @!p0 [sflag:s8], $0x0  }
0x24: {  	s3 =	sadd.s32 $0x88, s3;
	s6 =	simm.s32 @!p1 $0x1082;
	[sflag:s4] =	ssyncset.s32 $0xFFFFF086  }
0x25: {  	[simem:s6], [sflag:s4] =	dma.local [hbm:s3], $0xF7A  }
0x26: {  	[smem:$0x3F87] =	sst s1;
	(tag) =	ssettag s2;
	_ =	strace s9  }
0x27: {  	s1 =	sld [smem:$0x3F97]  }
0x28: {  	s2 =	sld [smem:$0x3F98]  }
0x29: {  	s4 =	sld [smem:$0x3F9A]  }
0x2a: {  	p0 =	seq.s32 s5, $0x0;
	s5 =	sld [smem:$0x3F9B]  }
0x2b: {  	s6 =	sld [smem:$0x3F9C]  }
0x2c: {  	s7 =	sld [smem:$0x3F9D]  }
0x2d: {  	s3 =	simm.s32 $0x108;
	s8 =	sld [smem:$0x3F9E]  }
0x2e: {  	s3 =	simm.s32 @!p0 $0x1082;
	s9 =	sld [smem:$0x3F9F]  }
0x2f: {  	lr =	sadd.s32 s0, s3;
	s0 =	sld [smem:$0x3F96]  }
0x30: {  	s3 =	sld [smem:$0x3F99]  }
0x31: {  	[smem:$0x3FA2] =	sst s10  }
0x32: {  	s10 =	sld [smem:$0x3FA0];
	_ =	sdelay $0x3  }
0x33: {  	p0 =	seq.s32 s10, $0x1;
	s10 =	sld [smem:$0x3FA2];
	_ =	sdelay $0x3  }
0x34: {  	[smem:$0x3FA2] =	sst s10  }
0x35: {  	s10 =	sld [smem:$0x3FA1];
	_ =	sdelay $0x3  }
0x36: {  	p1 =	seq.s32 s10, $0x1;
	s10 =	sld [smem:$0x3FA2];
	_ =	sdelay $0x3  }
0x37: {  	[smem:$0x3FA2] =	sst s10  }
0x38: {  	s10 =	sld [smem:$0x3FA3]  }
0x39: {  	_ = 	snop;
	(pc) =	sbr.ind lr, $3  }
0x3a: {  	_ = 	snop  }
0x3b: {  	_ = 	snop  }
0x3c: {  	p2 =	seq.s32 s10, $0x1;
	s10 =	sld [smem:$0x3FA2]  }
0x3d: {  	_ =	shalt  }
0x3e: {  	_ =	shalt  }
0x3f: {  	_ =	shalt  }
0x40: {  	_ =	shalt  }
0x41: {  	_ =	shalt  }
0x42: {  	_ =	shalt  }
0x43: {  	_ =	shalt  }
0x44: {  	_ =	shalt  }
0x45: {  	_ =	shalt  }
0x46: {  	_ =	shalt  }
0x47: {  	_ =	shalt  }
0x48: {  	_ =	shalt  }
0x49: {  	_ =	shalt  }
0x4a: {  	_ =	shalt  }
0x4b: {  	_ =	shalt  }
0x4c: {  	_ =	shalt  }
0x4d: {  	_ =	shalt  }
0x4e: {  	_ =	shalt  }
0x4f: {  	_ =	shalt  }
0x50: {  	_ =	shalt  }
0x51: {  	_ =	shalt  }
0x52: {  	_ =	shalt  }
0x53: {  	_ =	shalt  }
0x54: {  	_ =	shalt  }
0x55: {  	_ =	shalt  }
0x56: {  	_ =	shalt  }
0x57: {  	_ =	shalt  }
0x58: {  	_ =	shalt  }
0x59: {  	_ =	shalt  }
0x5a: {  	_ =	shalt  }
0x5b: {  	_ =	shalt  }
0x5c: {  	_ =	shalt  }
0x5d: {  	_ =	shalt  }
0x5e: {  	_ =	shalt  }
0x5f: {  	_ =	shalt  }
0x60: {  	_ =	shalt  }
0x61: {  	_ =	shalt  }
0x62: {  	_ =	shalt  }
0x63: {  	_ =	shalt  }
0x64: {  	_ =	shalt  }
0x65: {  	_ =	shalt  }
0x66: {  	_ =	shalt  }
0x67: {  	_ =	shalt  }
0x68: {  	_ =	shalt  }
0x69: {  	_ =	shalt  }
0x6a: {  	_ =	shalt  }
0x6b: {  	_ =	shalt  }
0x6c: {  	_ =	shalt  }
0x6d: {  	_ =	shalt  }
0x6e: {  	_ =	shalt  }
0x6f: {  	_ =	shalt  }
0x70: {  	_ =	shalt  }
0x71: {  	_ =	shalt  }
0x72: {  	_ =	shalt  }
0x73: {  	_ =	shalt  }
0x74: {  	_ =	shalt  }
0x75: {  	_ =	shalt  }
0x76: {  	_ =	shalt  }
0x77: {  	_ =	shalt  }
0x78: {  	_ =	shalt  }
0x79: {  	_ =	shalt  }
0x7a: {  	_ =	shalt  }
0x7b: {  	_ =	shalt  }
0x7c: {  	_ =	shalt  }
0x7d: {  	_ =	shalt  }
0x7e: {  	_ =	shalt  }
0x7f: {  	_ =	shalt  }
0x80: {  	_ =	shalt  }
0x81: {  	_ =	shalt  }
0x82: {  	_ =	shalt  }
0x83: {  	_ =	shalt  }
0x84: {  	_ =	shalt  }
0x85: {  	_ =	shalt  }
0x86: {  	_ =	shalt  }
0x87: {  	_ =	shalt  }
.Lfunc_end0:
.L_simem_size_0:
called_computation.1_lowered:
.L_overlay_start_0:
0x88: {  	s2 =	sld [smem:$0x3FD9]  }
0x89: {  	s3 =	sld [smem:$0x3FFE];
	_ =	sdelay $0x1  }
0x8a: {  	s1 =	srdreg.scid  }
0x8b: {  	s0 =	sand.u32 $0x1, s1  }
0x8c: {  	s14 =	sshll.u32 s0, $0xA;
	s2 =	sadd.s32 s3, s2  }
0x8d: {  	s2 =	sadd.s32 s2, s14  }
0x8e: {  	[smem:$0x3FAE] =	sst s2  }
0x8f: {  	_ = 	snop  }
0x90: {  	s2 =	sld [smem:$0x3FD0];
	_ =	sdelay $0x2  }
0x91: {  	s4 =	simm.s32 $0xA;
	s5 =	simm.s32 $0x10;
	s15 =	sld [smem:$0x3FC6]  }
0x92: {  	[smem:s5], [sflag:s4] =	dma.local [hbm:s2], $0x1  }
0x93: {  	_ =	swait.eq [sflag:s4], $0x1  }
0x94: {  	[sflag:s4] =	ssyncset.done $0x0  }
0x95: {  	[sflag:s4] =	ssyncadd.s32 $0xFFFFFFFF  }
0x96: {  	s16 =	sld [smem:$0x13];
	(tm) =	ssettm $0x1  }
0x97: {  	s17 =	sld [smem:$0x3FFB];
	_ =	sdelay $0x3  }
0x98: {  	_ =	strace s17  }
0x99: {  	s4 =	sld [smem:$0x3FFC];
	_ =	sdelay $0x3  }
0x9a: {  	_ =	strace s4  }
0x9b: {  	s4 =	sld [smem:$0x3FFD];
	_ =	sdelay $0x3  }
0x9c: {  	_ =	strace s4  }
0x9d: {  	_ =	strace $0x8FFFFFFF  }
0x9e: {  	s18 =	sld [smem:$0x3FDB];
	_ =	sdelay $0x1  }
0x9f: {  	s19 =	simm.s32 $_scs_section_size  }
0xa0: {  	s6 =	simm.s32 $_size__tile_overlayer_lowered;
	s7 =	simm.s32 $_tile_overlayer_lowered  }
0xa1: {  	s22 =	simm.s32 $0x1BFF;
	s21 =	sshll.u32 s7, $0x1;
	s4 =	sadd.s32 s19, s18  }
0xa2: {  	s8 =	simm.s32 $0x0;
	s20 =	sshll.u32 s6, $0x1;
	s6 =	sadd.s32 s21, s4  }
0xa3: {  	[timem:s8], [sflag:s22] =	dma.local [hbm:s6], s20  }
0xa4: {  	_ =	swait.ge [sflag:s22], s20  }
0xa5: {  	s5 =	ssub.s32 $0x0, s20;
	[sflag:s22] =	ssyncset.done $0x0  }
0xa6: {  	[sflag:s22] =	ssyncadd.s32 s5;
	_ =	sdelay $0x1  }
0xa7: {  	s23 =	simm.s32 $0x1B8B  }
0xa8: {  	_ =	swait.ge [sflag:s23], $0x1  }
0xa9: {  	[sflag:s23] =	ssyncset.done $0x0  }
0xaa: {  	s25 =	simm.s32 $0x1B8E;
	s24 =	sld [smem:$0x3FFE];
	[sflag:s23] =	ssyncadd.s32 $0xFFFFFFFF  }
0xab: {  	s26 =	simm.s32 $execute0_lowered;
	[smem:$0x3FD2] =	sst s25  }
0xac: {  	s6 =	sshll.u32 s26, $0x1;
	_ =	strace $0x80000049;
	[dreg:$0x1] =	wrdreg $0xFFFFFFFF  }
0xad: {  	s28 =	simm.s32 $_size_execute0_lowered;
	s4 =	sadd.s32 s4, s6;
	[dreg:$0x0] =	wrdreg $0x0  }
0xae: {  	s6 =	sshll.u32 s28, $0x1;
	[dreg:$0x2] =	wrdreg s4  }
0xaf: {  	[dreg:$0x3] =	wrdreg s6  }
0xb0: {  	[dreg:$0x4] =	wrdreg $0xC0  }
0xb1: {  	_ =	task [dreg:s8], $0x5FFFF  }
0xb2: {  	[dreg:$0x1] =	wrdreg $0xFFFFFFFF  }
0xb3: {  	[dreg:$0x0] =	wrdreg $0x60  }
0xb4: {  	[dreg:$0x2] =	wrdreg s15  }
0xb5: {  	[dreg:$0x3] =	wrdreg s16  }
0xb6: {  	[dreg:$0x4] =	wrdreg s24  }
0xb7: {  	[dreg:$0x5] =	wrdreg $0x9  }
0xb8: {  	_ =	task.clear_ibuf [dreg:s8], $0x6FFFF;
	_ =	strace $0x90000049  }
0xb9: {  	s29 =	simm.s32 $0x9;
	_ =	strace $0x8000004B  }
0xba: {  	_ =	swait.ge [sflag:s29], $0x1  }
0xbb: {  	[sflag:s29] =	ssyncadd.s32 $0xFFFFFFFF  }
0xbc: {  	_ =	strace $0x9000004B  }
0xbd: {  	_ =	sfence  }
0xbe: {  	s30 =	sld [smem:$0x0];
	_ =	sdelay $0x2  }
0xbf: {  	s31 =	sshll.u32 s1, $0xD;
	s1 =	sshrl.u32 s1, $0x2  }
0xc0: {  	s3 =	sand.u32 $0x4000, s31;
	s1 =	sadd.s32 s1, s30  }
0xc1: {  	s0 =	sor.u32 s3, s0;
	s1 =	sshll.u32 s1, $0x11  }
0xc2: {  	s0 =	sor.u32 s1, s0  }
0xc3: {  	s0 =	sadd.s32 $0x8F2B, s0  }
0xc4: {  	[sflag:s0] =	ssyncadd.remote.s32 $0x1  }
0xc5: {  	_ =	sfence.sel $0xFFFF  }
0xc6: {  	[dreg:$0x0] =	wrdreg $0xFFFFFFFF;
	(pc) =	sbr.abs _section_cstart, $3  }
0xc7: {  	[dreg:$0x1] =	wrdreg $0xFFFFFFFF  }
0xc8: {  	_ =	task.clear_ibuf [dreg:s8], $0x2FFFF;
	_ =	strace $0x9FFFFFFF  }
0xc9: {  	(tm) =	ssettm $0x7FFFFFFF  }
tec
execute0_lowered:
.L_overlay_start_1:
0x0: {  	(tag) =	ssettag $0x1  }
0x1: {  	s1 =	rddreg [dreg:$0x0];
	s2 =	srdreg.scid  }
0x2: {  	s9 =	rddreg [dreg:$0x1];
	s0 =	stileid.u32;
	s10 =	sand.u32 $0x1, s2  }
0x3: {  	s8 =	rddreg [dreg:$0x2];
	s4 =	sshll.u32 s0, $0x9;
	s5 =	sshll.u32 s10, $0x8  }
0x4: {  	s3 =	simm.s32 $0x0;
	s2 =	rddreg [dreg:$0x3];
	s11 =	sor.u32 s5, s4  }
0x5: {  	[smem:$0x7FF] =	sst s3;
	s4 =	sshrl.u32 s11, $0x3  }
0x6: {  	_ =	strace $0x8000004A;
	s5 =	sadd.s32 s9, s4;
	s4 =	simm.s32 $0x2  }
0x7: {  	[tilespmem:s3], [sflag:$0x2] =	stream.linear.gather [hbm4b:s5+s3], $0x80, $0x38;
	[tilespmem:$0x4080] =	vst v63  }
0x8: {  	_ =	swait.ge [sflag:s4], $0x80  }
0x9: {  	[sflag:s4] =	ssyncset.done $0x0  }
0xa: {  	s6 =	simm.s32 $0x80;
	s7 =	simm.s32 $0x1;
	[sflag:s4] =	ssyncadd.s32 $0xFFFFFF80  }
0xb: {  	[tilespmem:s6], [sflag:$0x1] =	stream.indirect.gather [hbm4b:s1+s6], $0x80, s3, s6, $0xb8;
	[tilespmem:$0x4080] =	vst v63  }
0xc: {  	_ =	swait.ge [sflag:s7], $0x4000  }
0xd: {  	s12 =	sadd.s32 $0x3600, s8;
	s28 =	sshll.u32 s11, $0x4;
	[sflag:s7] =	ssyncset.done $0x0  }
0xe: {  	s8 =	sadd.s32 s12, s28;
	[sflag:s7] =	ssyncadd.s32 $0xFFFFC000  }
0xf: {  	[hbm4b:s8+s3] =	stream.linear.scatter [tilespmem:s6], [sflag:$0x2], $0x4000, $0x38;
	[tilespmem:$0x4080] =	vst v63  }
0x10: {  	s11 =	sor.u32 $0x80, s11;
	_ =	swait.ge [sflag:s4], $0x4000  }
0x11: {  	s13 =	sshrl.u32 s11, $0x3;
	[sflag:s4] =	ssyncset.done $0x0  }
0x12: {  	s10 =	ssub.s32 $0x2, s10;
	s9 =	sadd.s32 s9, s13;
	[sflag:s4] =	ssyncadd.s32 $0xFFFFC000  }
0x13: {  	[tilespmem:s3], [sflag:$0x2] =	stream.linear.gather [hbm4b:s9+s3], $0x80, $0x38;
	[tilespmem:$0x4080] =	vst v63  }
0x14: {  	s29 =	sshrl.u32 s10, $0x1;
	_ =	swait.ge [sflag:s4], $0x80  }
0x15: {  	s13 =	ssub.s32 s10, s29;
	[sflag:s4] =	ssyncset.done $0x0  }
0x16: {  	s31 =	smax.u32 s13, $0x1;
	[sflag:s4] =	ssyncadd.s32 $0xFFFFFF80  }
0x17: {  	[tilespmem:s6], [sflag:$0x1] =	stream.indirect.gather [hbm4b:s1+s6], $0x80, s3, s6, $0xb8;
	[tilespmem:$0x4080] =	vst v63  }
0x18: {  	p0 =	sne.s32 s31, $0x1;
	_ =	swait.ge [sflag:s7], $0x4000  }
.Ltmp0:
0x19: {  	s30 =	sshll.u32 s11, $0x4;
	[sflag:s7] =	ssyncset.done $0x0;
	(pc) =	sbr.rel @!p0 .LBB2_2-.Ltmp0, $4  }
0x1a: {  	s10 =	sadd.s32 s12, s30;
	[sflag:s7] =	ssyncadd.s32 $0xFFFFC000  }
0x1b: {  	[hbm4b:s10+s3] =	stream.linear.scatter [tilespmem:s6], [sflag:$0x2], $0x4000, $0x38;
	[tilespmem:$0x4080] =	vst v63  }
0x1c: {  	_ =	swait.ge [sflag:s4], $0x4000  }
0x1d: {  	s11 =	sadd.s32 $0xFFFFFFFF, s31;
	[sflag:s4] =	ssyncset.done $0x0  }
.LBB2_1:
0x1e: {  	p0 =	sne.s32 s11, $0x1;
	s11 =	sadd.s32 $0xFFFFFFFF, s11;
	[sflag:s4] =	ssyncadd.s32 $0xFFFFC000  }
0x1f: {  	[tilespmem:s3], [sflag:$0x2] =	stream.linear.gather [hbm4b:s5+s3], $0x80, $0x38;
	[tilespmem:$0x4080] =	vst v63  }
0x20: {  	_ =	swait.ge [sflag:s4], $0x80  }
0x21: {  	[sflag:s4] =	ssyncset.done $0x0  }
0x22: {  	[sflag:s4] =	ssyncadd.s32 $0xFFFFFF80  }
0x23: {  	[tilespmem:s6], [sflag:$0x1] =	stream.indirect.gather [hbm4b:s1+s6], $0x80, s3, s6, $0xb8;
	[tilespmem:$0x4080] =	vst v63  }
0x24: {  	_ =	swait.ge [sflag:s7], $0x4000  }
0x25: {  	[sflag:s7] =	ssyncset.done $0x0  }
0x26: {  	[sflag:s7] =	ssyncadd.s32 $0xFFFFC000  }
0x27: {  	[hbm4b:s8+s3] =	stream.linear.scatter [tilespmem:s6], [sflag:$0x2], $0x4000, $0x38;
	[tilespmem:$0x4080] =	vst v63  }
0x28: {  	_ =	swait.ge [sflag:s4], $0x4000  }
0x29: {  	[sflag:s4] =	ssyncset.done $0x0  }
0x2a: {  	[sflag:s4] =	ssyncadd.s32 $0xFFFFC000  }
0x2b: {  	[tilespmem:s3], [sflag:$0x2] =	stream.linear.gather [hbm4b:s9+s3], $0x80, $0x38;
	[tilespmem:$0x4080] =	vst v63  }
0x2c: {  	_ =	swait.ge [sflag:s4], $0x80  }
0x2d: {  	[sflag:s4] =	ssyncset.done $0x0  }
0x2e: {  	[sflag:s4] =	ssyncadd.s32 $0xFFFFFF80  }
0x2f: {  	[tilespmem:s6], [sflag:$0x1] =	stream.indirect.gather [hbm4b:s1+s6], $0x80, s3, s6, $0xb8;
	[tilespmem:$0x4080] =	vst v63  }
0x30: {  	_ =	swait.ge [sflag:s7], $0x4000  }
.Ltmp1:
0x31: {  	[sflag:s7] =	ssyncset.done $0x0;
	(pc) =	sbr.rel @p0 .LBB2_1-.Ltmp1, $4  }
0x32: {  	[sflag:s7] =	ssyncadd.s32 $0xFFFFC000  }
0x33: {  	[hbm4b:s10+s3] =	stream.linear.scatter [tilespmem:s6], [sflag:$0x2], $0x4000, $0x38;
	[tilespmem:$0x4080] =	vst v63  }
0x34: {  	_ =	swait.ge [sflag:s4], $0x4000  }
0x35: {  	[sflag:s4] =	ssyncset.done $0x0  }
.LBB2_2:
0x36: {  	[sflag:s4] =	ssyncadd.s32 $0xFFFFC000  }
0x37: {  	_ =	sfence.sel $0x180000  }
0x38: {  	[bflag:$0x0] =	sbarrier.arrive $0xFFFF  }
0x39: {  	p0 =	sne.s32 s0, $0x0;
	_ =	strace $0x9000004A  }
0x3a: {  	s0 =	sadd.s32 @!p0 $0x100000, s2;
	[bflag:$0x2] =	sbarrier.arrive $0xFFFF  }
0x3b: {  	[sflag:s0] =	ssyncadd.tile.s32 @!p0 $0x1;
	_ =	shalt  }
.Lfunc_end2:
_tile_overlayer_lowered:
.L_overlay_start_2:
0x3c: {  	(tag) =	ssettag $0x2  }
0x3d: {  	s0 =	rddreg [dreg:$0x0];
	s2 =	stileid.u32  }
0x3e: {  	s1 =	rddreg [dreg:$0x1];
	p0 =	sne.s32 s2, $0x0  }
0x3f: {  	s3 =	rddreg [dreg:$0x2];
	[bflag:$0x3] =	sbarrier.arrive $0xFFFF;
	s2 =	simm.s32 @!p0 $0x1C02  }
0x40: {  	[timem:s3], [sflag:s2] =	dma.local @!p0 [hbm:s0], s1  }
0x41: {  	s0 =	simm.s32 @!p0 $0x2  }
0x42: {  	_ =	swait.ge @!p0 [sflag:s0], s1  }
0x43: {  	s1 =	ssub.s32 @!p0 $0x0, s1;
	[sflag:s0] =	ssyncset.done @!p0 $0x0  }
0x44: {  	[sflag:s0] =	ssyncadd.s32 @!p0 s1  }
0x45: {  	[bflag:$0x3] =	sbarrier.arrive $0xFFFF  }
0x46: {  	_ =	shalt  }

// kernel: kernel.9.cloned.1.call-start
scs
__scs_entry_jumppad:
0x0: {  	(pc) =	sbr.rel $0x88, $3  }
0x1: {  	(tag) =	ssettag $0x0;
	lr =	simm.s32 $0x1  }
0x2: {  	[smem:$0x3F87] =	sst lr;
	_ =	strace $0xD0000000  }
0x3: {  	_ = 	snop  }
0x4: {  	_ = 	snop  }
0x5: {  	_ = 	snop  }
0x6: {  	_ = 	snop  }
0x7: {  	_ = 	snop  }
__scs_overlays_trampoline_lowered:
0x8: {  	[smem:$0x3F96] =	sst s0  }
0x9: {  	[smem:$0x3F97] =	sst s1  }
0xa: {  	[smem:$0x3F98] =	sst s2  }
0xb: {  	[smem:$0x3F99] =	sst s3  }
0xc: {  	[smem:$0x3F9A] =	sst s4  }
0xd: {  	[smem:$0x3F9B] =	sst s5  }
0xe: {  	[smem:$0x3F9C] =	sst s6  }
0xf: {  	[smem:$0x3F9D] =	sst s7  }
0x10: {  	[smem:$0x3F9E] =	sst s8  }
0x11: {  	[smem:$0x3F9F] =	sst s9;
	s0 =	simm.s32 @!p0 $0x0  }
0x12: {  	s1 =	sld [smem:$0x3F85];
	s0 =	simm.s32 @p0 $0x1  }
0x13: {  	[smem:$0x3FA0] =	sst s0;
	s0 =	simm.s32 @!p1 $0x0  }
0x14: {  	s2 =	sld [smem:$0x3F84];
	s0 =	simm.s32 @p1 $0x1  }
0x15: {  	[smem:$0x3FA1] =	sst s0;
	s0 =	simm.s32 @!p2 $0x0  }
0x16: {  	s3 =	sld [smem:$0x3FDB];
	s0 =	simm.s32 @p2 $0x1  }
0x17: {  	s4 =	simm.s32 $0x1BF5;
	[smem:$0x3FA3] =	sst s0  }
0x18: {  	s0 =	sld [smem:$0x3F86];
	_ =	swait.ge [sflag:s4], $0x0  }
0x19: {  	s7 =	sld [smem:$0x3F87]  }
0x1a: {  	s8 =	sadd.s32 $0xFFFFE003, lr  }
0x1b: {  	s9 =	sadd.s32 $0xFFFFFEF7, lr;
	s5 =	simm.s32 $0xFFFFFFFF;
	p2 =	slt.u32 s8, $0xFFFFF086  }
0x1c: {  	p1 =	slt.u32 s9, $0xF7A;
	s5 =	simm.s32 @!p2 $0x0  }
0x1d: {  	s5 =	simm.s32 @p1 $0x1;
	p0 =	seq.s32 s7, s2  }
0x1e: {  	s7 =	smul.u32 @!p0 $0xF7A, s2;
	p2 =	seq.s32 @!p0 s5, $0x0  }
0x1f: {  	s9 =	smul.u32 $0xF7A, s1;
	s8 =	simm.s32 @!p0 $0x1BF5;
	p2 =	por !p2, p0  }
0x20: {  	[sflag:s8] =	ssyncset.s32 @!p0 $0xFFFFF086;
	s6 =	sadd.s32 @!p0 s3, s7;
	s7 =	simm.s32 @!p0 $0x108  }
0x21: {  	s3 =	sadd.s32 s3, s9;
	s6 =	sadd.s32 @!p0 $0x88, s6;
	s7 =	simm.s32 @p2 $0x1082  }
0x22: {  	[simem:s7], [sflag:s8] =	dma.local @!p0 [hbm:s6], $0xF7A  }
0x23: {  	s9 =	sor.u32 $0xD0000000, s2;
	s6 =	simm.s32 $0x108;
	_ =	swait.ge @!p0 [sflag:s8], $0x0  }
0x24: {  	s3 =	sadd.s32 $0x88, s3;
	s6 =	simm.s32 @!p1 $0x1082;
	[sflag:s4] =	ssyncset.s32 $0xFFFFF086  }
0x25: {  	[simem:s6], [sflag:s4] =	dma.local [hbm:s3], $0xF7A  }
0x26: {  	[smem:$0x3F87] =	sst s1;
	(tag) =	ssettag s2;
	_ =	strace s9  }
0x27: {  	s1 =	sld [smem:$0x3F97]  }
0x28: {  	s2 =	sld [smem:$0x3F98]  }
0x29: {  	s4 =	sld [smem:$0x3F9A]  }
0x2a: {  	p0 =	seq.s32 s5, $0x0;
	s5 =	sld [smem:$0x3F9B]  }
0x2b: {  	s6 =	sld [smem:$0x3F9C]  }
0x2c: {  	s7 =	sld [smem:$0x3F9D]  }
0x2d: {  	s3 =	simm.s32 $0x108;
	s8 =	sld [smem:$0x3F9E]  }
0x2e: {  	s3 =	simm.s32 @!p0 $0x1082;
	s9 =	sld [smem:$0x3F9F]  }
0x2f: {  	lr =	sadd.s32 s0, s3;
	s0 =	sld [smem:$0x3F96]  }
0x30: {  	s3 =	sld [smem:$0x3F99]  }
0x31: {  	[smem:$0x3FA2] =	sst s10  }
0x32: {  	s10 =	sld [smem:$0x3FA0];
	_ =	sdelay $0x3  }
0x33: {  	p0 =	seq.s32 s10, $0x1;
	s10 =	sld [smem:$0x3FA2];
	_ =	sdelay $0x3  }
0x34: {  	[smem:$0x3FA2] =	sst s10  }
0x35: {  	s10 =	sld [smem:$0x3FA1];
	_ =	sdelay $0x3  }
0x36: {  	p1 =	seq.s32 s10, $0x1;
	s10 =	sld [smem:$0x3FA2];
	_ =	sdelay $0x3  }
0x37: {  	[smem:$0x3FA2] =	sst s10  }
0x38: {  	s10 =	sld [smem:$0x3FA3]  }
0x39: {  	_ = 	snop;
	(pc) =	sbr.ind lr, $3  }
0x3a: {  	_ = 	snop  }
0x3b: {  	_ = 	snop  }
0x3c: {  	p2 =	seq.s32 s10, $0x1;
	s10 =	sld [smem:$0x3FA2]  }
0x3d: {  	_ =	shalt  }
0x3e: {  	_ =	shalt  }
0x3f: {  	_ =	shalt  }
0x40: {  	_ =	shalt  }
0x41: {  	_ =	shalt  }
0x42: {  	_ =	shalt  }
0x43: {  	_ =	shalt  }
0x44: {  	_ =	shalt  }
0x45: {  	_ =	shalt  }
0x46: {  	_ =	shalt  }
0x47: {  	_ =	shalt  }
0x48: {  	_ =	shalt  }
0x49: {  	_ =	shalt  }
0x4a: {  	_ =	shalt  }
0x4b: {  	_ =	shalt  }
0x4c: {  	_ =	shalt  }
0x4d: {  	_ =	shalt  }
0x4e: {  	_ =	shalt  }
0x4f: {  	_ =	shalt  }
0x50: {  	_ =	shalt  }
0x51: {  	_ =	shalt  }
0x52: {  	_ =	shalt  }
0x53: {  	_ =	shalt  }
0x54: {  	_ =	shalt  }
0x55: {  	_ =	shalt  }
0x56: {  	_ =	shalt  }
0x57: {  	_ =	shalt  }
0x58: {  	_ =	shalt  }
0x59: {  	_ =	shalt  }
0x5a: {  	_ =	shalt  }
0x5b: {  	_ =	shalt  }
0x5c: {  	_ =	shalt  }
0x5d: {  	_ =	shalt  }
0x5e: {  	_ =	shalt  }
0x5f: {  	_ =	shalt  }
0x60: {  	_ =	shalt  }
0x61: {  	_ =	shalt  }
0x62: {  	_ =	shalt  }
0x63: {  	_ =	shalt  }
0x64: {  	_ =	shalt  }
0x65: {  	_ =	shalt  }
0x66: {  	_ =	shalt  }
0x67: {  	_ =	shalt  }
0x68: {  	_ =	shalt  }
0x69: {  	_ =	shalt  }
0x6a: {  	_ =	shalt  }
0x6b: {  	_ =	shalt  }
0x6c: {  	_ =	shalt  }
0x6d: {  	_ =	shalt  }
0x6e: {  	_ =	shalt  }
0x6f: {  	_ =	shalt  }
0x70: {  	_ =	shalt  }
0x71: {  	_ =	shalt  }
0x72: {  	_ =	shalt  }
0x73: {  	_ =	shalt  }
0x74: {  	_ =	shalt  }
0x75: {  	_ =	shalt  }
0x76: {  	_ =	shalt  }
0x77: {  	_ =	shalt  }
0x78: {  	_ =	shalt  }
0x79: {  	_ =	shalt  }
0x7a: {  	_ =	shalt  }
0x7b: {  	_ =	shalt  }
0x7c: {  	_ =	shalt  }
0x7d: {  	_ =	shalt  }
0x7e: {  	_ =	shalt  }
0x7f: {  	_ =	shalt  }
0x80: {  	_ =	shalt  }
0x81: {  	_ =	shalt  }
0x82: {  	_ =	shalt  }
0x83: {  	_ =	shalt  }
0x84: {  	_ =	shalt  }
0x85: {  	_ =	shalt  }
0x86: {  	_ =	shalt  }
0x87: {  	_ =	shalt  }
.Lfunc_end0:
.L_simem_size_0:
called_computation_lowered:
.L_overlay_start_0:
0x88: {  	s2 =	sld [smem:$0x3FD9]  }
0x89: {  	s3 =	sld [smem:$0x3FFE];
	_ =	sdelay $0x1  }
0x8a: {  	s1 =	srdreg.scid  }
0x8b: {  	s0 =	sand.u32 $0x1, s1  }
0x8c: {  	s14 =	sshll.u32 s0, $0xA;
	s2 =	sadd.s32 s3, s2  }
0x8d: {  	s2 =	sadd.s32 s2, s14  }
0x8e: {  	[smem:$0x3FAE] =	sst s2  }
0x8f: {  	_ = 	snop  }
0x90: {  	s2 =	sld [smem:$0x3FD0];
	_ =	sdelay $0x2  }
0x91: {  	s15 =	simm.s32 $0xA;
	s4 =	simm.s32 $0x10  }
0x92: {  	[smem:s4], [sflag:s15] =	dma.local [hbm:s2], $0x1  }
0x93: {  	_ =	swait.eq [sflag:s15], $0x1  }
0x94: {  	[sflag:s15] =	ssyncset.done $0x0  }
0x95: {  	[sflag:s15] =	ssyncadd.s32 $0xFFFFFFFF  }
0x96: {  	s16 =	sld [smem:$0x15];
	(tm) =	ssettm $0x1  }
0x97: {  	s17 =	sld [smem:$0x3FFB];
	_ =	sdelay $0x3  }
0x98: {  	_ =	strace s17  }
0x99: {  	s3 =	sld [smem:$0x3FFC];
	_ =	sdelay $0x3  }
0x9a: {  	_ =	strace s3  }
0x9b: {  	s3 =	sld [smem:$0x3FFD];
	_ =	sdelay $0x3  }
0x9c: {  	_ =	strace s3  }
0x9d: {  	_ =	strace $0x8FFFFFFF  }
0x9e: {  	s18 =	sld [smem:$0x3FDB];
	_ =	sdelay $0x1  }
0x9f: {  	s19 =	simm.s32 $_scs_section_size  }
0xa0: {  	s5 =	simm.s32 $_size__tile_overlayer_lowered;
	s6 =	simm.s32 $_tile_overlayer_lowered  }
0xa1: {  	s22 =	simm.s32 $0x1BFF;
	s21 =	sshll.u32 s6, $0x1;
	s3 =	sadd.s32 s19, s18  }
0xa2: {  	s7 =	simm.s32 $0x0;
	s20 =	sshll.u32 s5, $0x1;
	s5 =	sadd.s32 s21, s3  }
0xa3: {  	[timem:s7], [sflag:s22] =	dma.local [hbm:s5], s20  }
0xa4: {  	_ =	swait.ge [sflag:s22], s20  }
0xa5: {  	s4 =	ssub.s32 $0x0, s20;
	[sflag:s22] =	ssyncset.done $0x0  }
0xa6: {  	[sflag:s22] =	ssyncadd.s32 s4;
	_ =	sdelay $0x1  }
0xa7: {  	s23 =	simm.s32 $0x1B8B  }
0xa8: {  	_ =	swait.ge [sflag:s23], $0x1  }
0xa9: {  	[sflag:s23] =	ssyncset.done $0x0  }
0xaa: {  	s25 =	simm.s32 $0x1B8E;
	s24 =	sld [smem:$0x3FFE];
	[sflag:s23] =	ssyncadd.s32 $0xFFFFFFFF  }
0xab: {  	s26 =	simm.s32 $execute0_lowered;
	[smem:$0x3FD2] =	sst s25  }
0xac: {  	s5 =	sshll.u32 s26, $0x1;
	_ =	strace $0x80000046;
	[dreg:$0x1] =	wrdreg $0xFFFFFFFF  }
0xad: {  	s28 =	simm.s32 $_size_execute0_lowered;
	s3 =	sadd.s32 s3, s5;
	[dreg:$0x0] =	wrdreg $0x0  }
0xae: {  	s5 =	sshll.u32 s28, $0x1;
	[dreg:$0x2] =	wrdreg s3  }
0xaf: {  	[dreg:$0x3] =	wrdreg s5  }
0xb0: {  	[dreg:$0x4] =	wrdreg $0xC0  }
0xb1: {  	_ =	task [dreg:s7], $0x5FFFF  }
0xb2: {  	[dreg:$0x1] =	wrdreg $0xFFFFFFFF  }
0xb3: {  	[dreg:$0x0] =	wrdreg $0x60  }
0xb4: {  	[dreg:$0x2] =	wrdreg s24  }
0xb5: {  	[dreg:$0x3] =	wrdreg s16  }
0xb6: {  	[dreg:$0x4] =	wrdreg $0x9  }
0xb7: {  	_ =	task.clear_ibuf [dreg:s7], $0x5FFFF;
	_ =	strace $0x90000046  }
0xb8: {  	s29 =	simm.s32 $0x9;
	_ =	strace $0x80000048  }
0xb9: {  	_ =	swait.ge [sflag:s29], $0x1  }
0xba: {  	[sflag:s29] =	ssyncadd.s32 $0xFFFFFFFF  }
0xbb: {  	_ =	strace $0x90000048  }
0xbc: {  	_ =	sfence  }
0xbd: {  	s30 =	sld [smem:$0x0];
	_ =	sdelay $0x2  }
0xbe: {  	s31 =	sshll.u32 s1, $0xD;
	s1 =	sshrl.u32 s1, $0x2  }
0xbf: {  	s3 =	sand.u32 $0x4000, s31;
	s1 =	sadd.s32 s1, s30  }
0xc0: {  	s0 =	sor.u32 s3, s0;
	s1 =	sshll.u32 s1, $0x11  }
0xc1: {  	s0 =	sor.u32 s1, s0  }
0xc2: {  	s0 =	sadd.s32 $0x8F2B, s0  }
0xc3: {  	[sflag:s0] =	ssyncadd.remote.s32 $0x1  }
0xc4: {  	_ =	sfence.sel $0xFFFF  }
0xc5: {  	[dreg:$0x0] =	wrdreg $0xFFFFFFFF;
	(pc) =	sbr.abs _section_cstart, $3  }
0xc6: {  	[dreg:$0x1] =	wrdreg $0xFFFFFFFF  }
0xc7: {  	_ =	task.clear_ibuf [dreg:s7], $0x2FFFF;
	_ =	strace $0x9FFFFFFF  }
0xc8: {  	(tm) =	ssettm $0x7FFFFFFF  }
0xc9: {  	_ =	shalt  }
tec
execute0_lowered:
.L_overlay_start_1:
0x0: {  	(tag) =	ssettag $0x1  }
0x1: {  	s1 =	srdreg.scid  }
0x2: {  	s8 =	rddreg [dreg:$0x0];
	s0 =	stileid.u32;
	s10 =	sand.u32 $0x1, s1  }
0x3: {  	s9 =	rddreg [dreg:$0x1];
	s3 =	sshll.u32 s0, $0x9;
	s4 =	sshll.u32 s10, $0x8  }
0x4: {  	s2 =	simm.s32 $0x0;
	s1 =	rddreg [dreg:$0x2];
	s11 =	sor.u32 s4, s3  }
0x5: {  	[smem:$0x7FF] =	sst s2;
	s3 =	sshrl.u32 s11, $0x3  }
0x6: {  	_ =	strace $0x80000047;
	s4 =	sadd.s32 s9, s3;
	s3 =	simm.s32 $0x2  }
0x7: {  	[tilespmem:s2], [sflag:$0x2] =	stream.linear.gather [hbm4b:s4+s2], $0x80, $0x38;
	[tilespmem:$0x4080] =	vst v63  }
0x8: {  	_ =	swait.ge [sflag:s3], $0x80  }
0x9: {  	s6 =	simm.s32 $0x80;
	[sflag:s3] =	ssyncset.done $0x0  }
0xa: {  	s7 =	simm.s32 $0x1;
	s5 =	sadd.s32 $0x18AC00, s8;
	[sflag:s3] =	ssyncadd.s32 $0xFFFFFF80  }
0xb: {  	[tilespmem:s6], [sflag:$0x1] =	stream.indirect.gather [hbm4b:s5+s6], $0x80, s2, s6, $0xb8;
	[tilespmem:$0x4080] =	vst v63  }
0xc: {  	_ =	swait.ge [sflag:s7], $0x4000  }
0xd: {  	s12 =	sadd.s32 $0x3600, s8;
	s28 =	sshll.u32 s11, $0x4;
	[sflag:s7] =	ssyncset.done $0x0  }
0xe: {  	s8 =	sadd.s32 s12, s28;
	[sflag:s7] =	ssyncadd.s32 $0xFFFFC000  }
0xf: {  	[hbm4b:s8+s2] =	stream.linear.scatter [tilespmem:s6], [sflag:$0x2], $0x4000, $0x38;
	[tilespmem:$0x4080] =	vst v63  }
0x10: {  	s11 =	sor.u32 $0x80, s11;
	_ =	swait.ge [sflag:s3], $0x4000  }
0x11: {  	s13 =	sshrl.u32 s11, $0x3;
	[sflag:s3] =	ssyncset.done $0x0  }
0x12: {  	s10 =	ssub.s32 $0x2, s10;
	s9 =	sadd.s32 s9, s13;
	[sflag:s3] =	ssyncadd.s32 $0xFFFFC000  }
0x13: {  	[tilespmem:s2], [sflag:$0x2] =	stream.linear.gather [hbm4b:s9+s2], $0x80, $0x38;
	[tilespmem:$0x4080] =	vst v63  }
0x14: {  	s29 =	sshrl.u32 s10, $0x1;
	_ =	swait.ge [sflag:s3], $0x80  }
0x15: {  	s13 =	ssub.s32 s10, s29;
	[sflag:s3] =	ssyncset.done $0x0  }
0x16: {  	s31 =	smax.u32 s13, $0x1;
	[sflag:s3] =	ssyncadd.s32 $0xFFFFFF80  }
0x17: {  	[tilespmem:s6], [sflag:$0x1] =	stream.indirect.gather [hbm4b:s5+s6], $0x80, s2, s6, $0xb8;
	[tilespmem:$0x4080] =	vst v63  }
0x18: {  	p0 =	sne.s32 s31, $0x1;
	_ =	swait.ge [sflag:s7], $0x4000  }
.Ltmp0:
0x19: {  	s30 =	sshll.u32 s11, $0x4;
	[sflag:s7] =	ssyncset.done $0x0;
	(pc) =	sbr.rel @!p0 .LBB2_2-.Ltmp0, $4  }
0x1a: {  	s10 =	sadd.s32 s12, s30;
	[sflag:s7] =	ssyncadd.s32 $0xFFFFC000  }
0x1b: {  	[hbm4b:s10+s2] =	stream.linear.scatter [tilespmem:s6], [sflag:$0x2], $0x4000, $0x38;
	[tilespmem:$0x4080] =	vst v63  }
0x1c: {  	_ =	swait.ge [sflag:s3], $0x4000  }
0x1d: {  	s11 =	sadd.s32 $0xFFFFFFFF, s31;
	[sflag:s3] =	ssyncset.done $0x0  }
.LBB2_1:
0x1e: {  	p0 =	sne.s32 s11, $0x1;
	s11 =	sadd.s32 $0xFFFFFFFF, s11;
	[sflag:s3] =	ssyncadd.s32 $0xFFFFC000  }
0x1f: {  	[tilespmem:s2], [sflag:$0x2] =	stream.linear.gather [hbm4b:s4+s2], $0x80, $0x38;
	[tilespmem:$0x4080] =	vst v63  }
0x20: {  	_ =	swait.ge [sflag:s3], $0x80  }
0x21: {  	[sflag:s3] =	ssyncset.done $0x0  }
0x22: {  	[sflag:s3] =	ssyncadd.s32 $0xFFFFFF80  }
0x23: {  	[tilespmem:s6], [sflag:$0x1] =	stream.indirect.gather [hbm4b:s5+s6], $0x80, s2, s6, $0xb8;
	[tilespmem:$0x4080] =	vst v63  }
0x24: {  	_ =	swait.ge [sflag:s7], $0x4000  }
0x25: {  	[sflag:s7] =	ssyncset.done $0x0  }
0x26: {  	[sflag:s7] =	ssyncadd.s32 $0xFFFFC000  }
0x27: {  	[hbm4b:s8+s2] =	stream.linear.scatter [tilespmem:s6], [sflag:$0x2], $0x4000, $0x38;
	[tilespmem:$0x4080] =	vst v63  }
0x28: {  	_ =	swait.ge [sflag:s3], $0x4000  }
0x29: {  	[sflag:s3] =	ssyncset.done $0x0  }
0x2a: {  	[sflag:s3] =	ssyncadd.s32 $0xFFFFC000  }
0x2b: {  	[tilespmem:s2], [sflag:$0x2] =	stream.linear.gather [hbm4b:s9+s2], $0x80, $0x38;
	[tilespmem:$0x4080] =	vst v63  }
0x2c: {  	_ =	swait.ge [sflag:s3], $0x80  }
0x2d: {  	[sflag:s3] =	ssyncset.done $0x0  }
0x2e: {  	[sflag:s3] =	ssyncadd.s32 $0xFFFFFF80  }
0x2f: {  	[tilespmem:s6], [sflag:$0x1] =	stream.indirect.gather [hbm4b:s5+s6], $0x80, s2, s6, $0xb8;
	[tilespmem:$0x4080] =	vst v63  }
0x30: {  	_ =	swait.ge [sflag:s7], $0x4000  }
.Ltmp1:
0x31: {  	[sflag:s7] =	ssyncset.done $0x0;
	(pc) =	sbr.rel @p0 .LBB2_1-.Ltmp1, $4  }
0x32: {  	[sflag:s7] =	ssyncadd.s32 $0xFFFFC000  }
0x33: {  	[hbm4b:s10+s2] =	stream.linear.scatter [tilespmem:s6], [sflag:$0x2], $0x4000, $0x38;
	[tilespmem:$0x4080] =	vst v63  }
0x34: {  	_ =	swait.ge [sflag:s3], $0x4000  }
0x35: {  	[sflag:s3] =	ssyncset.done $0x0  }
.LBB2_2:
0x36: {  	[sflag:s3] =	ssyncadd.s32 $0xFFFFC000  }
0x37: {  	_ =	sfence.sel $0x180000  }
0x38: {  	[bflag:$0x0] =	sbarrier.arrive $0xFFFF  }
0x39: {  	p0 =	sne.s32 s0, $0x0;
	_ =	strace $0x90000047  }
0x3a: {  	s0 =	sadd.s32 @!p0 $0x100000, s1;
	[bflag:$0x2] =	sbarrier.arrive $0xFFFF  }
0x3b: {  	[sflag:s0] =	ssyncadd.tile.s32 @!p0 $0x1;
	_ =	shalt  }
.Lfunc_end2:
_tile_overlayer_lowered:
.L_overlay_start_2:
0x3c: {  	(tag) =	ssettag $0x2  }
0x3d: {  	s0 =	rddreg [dreg:$0x0];
	s2 =	stileid.u32  }
0x3e: {  	s1 =	rddreg [dreg:$0x1];
	p0 =	sne.s32 s2, $0x0  }
0x3f: {  	s3 =	rddreg [dreg:$0x2];
	[bflag:$0x3] =	sbarrier.arrive $0xFFFF;
	s2 =	simm.s32 @!p0 $0x1C02  }
0x40: {  	[timem:s3], [sflag:s2] =	dma.local @!p0 [hbm:s0], s1  }
0x41: {  	s0 =	simm.s32 @!p0 $0x2  }
0x42: {  	_ =	swait.ge @!p0 [sflag:s0], s1  }
0x43: {  	s1 =	ssub.s32 @!p0 $0x0, s1;
	[sflag:s0] =	ssyncset.done @!p0 $0x0  }
0x44: {  	[sflag:s0] =	ssyncadd.s32 @!p0 s1  }
0x45: {  	[bflag:$0x3] =	sbarrier.arrive $0xFFFF  }
0x46: {  	_ =	shalt  }

</sc_bundles>
